<compile_context>
chip_gen: v7x
topology: tpu7x:2x2x1
jax: 0.10.2.dev20260603
libtpu: 0.0.44.dev20260713+nightly
codegen_flags: <defaults>
</compile_context>

<pallas_src>
import functools

import jax
import jax.numpy as jnp
from jax import lax
from jax.experimental import pallas as pl
from jax.experimental.pallas import tpu as pltpu
from jax.experimental.pallas import tpu_sc as plsc

EMBEDDING_DIM = 64
BATCH = 16384
_NSEM = 4

_info = plsc.get_sparse_core_info()
_NC, _NS, _NL = _info.num_cores, _info.num_subcores, _info.num_lanes
_NW = _NC * _NS
_B_PER_W = BATCH // _NW
_N_CHUNKS = _B_PER_W // _NL

_mesh = plsc.VectorSubcoreMesh(core_axis_name="c", subcore_axis_name="s")


@functools.partial(
    pl.kernel,
    mesh=_mesh,
    out_type=jax.ShapeDtypeStruct((BATCH, EMBEDDING_DIM), jnp.float32),
    compiler_params=pltpu.CompilerParams(needs_layout_passes=False),
    scratch_types=[
        pltpu.VMEM((_B_PER_W,), jnp.int32),
        pltpu.VMEM((_B_PER_W, EMBEDDING_DIM), jnp.float32),
    ]
    + [pltpu.SemaphoreType.DMA] * _NSEM,
)
def _emb_lookup(idx_hbm, table_hbm, out_hbm, idx_v, rows_v, *sems):
    wid = lax.axis_index("s") * _NC + lax.axis_index("c")
    base = wid * _B_PER_W
    pltpu.sync_copy(idx_hbm.at[pl.ds(base, _B_PER_W)], idx_v)

    lane = lax.iota(jnp.int32, _NL)

    def fire(k, _):
        chunk = idx_v[pl.ds(k * _NL, _NL)]
        for j in range(_NL):
            r = jnp.sum(jnp.where(lane == j, chunk, 0))
            pltpu.async_copy(
                table_hbm.at[r], rows_v.at[k * _NL + j], sems[j % _NSEM]
            )
        return ()

    lax.fori_loop(0, _N_CHUNKS, fire, ())

    def drain(i, _):
        for s in range(_NSEM):
            pltpu.make_async_copy(
                table_hbm.at[0], rows_v.at[0], sems[s]
            ).wait()
        return ()

    lax.fori_loop(0, _B_PER_W // _NSEM, drain, ())
    pltpu.sync_copy(rows_v, out_hbm.at[pl.ds(base, _B_PER_W)])


def kernel(x, table):
    return _emb_lookup(x.astype(jnp.int32), table)

# --- scband reference (transcript-rebuilt; emitter-appended) ---
"""Pipeline reference for scband-standard-embedding-64527588655112 (READ-ONLY COPY).

The authoritative reference and input builder live on the scoring server;
editing this copy changes nothing except your own understanding.
"""

import jax, jax.numpy as jnp
import numpy as np

TOTAL_CATEGORIES = 1000000
EMBEDDING_DIM = 64
BATCH = 16384

def setup_inputs(seed: int = 0) -> dict:
    key = jax.random.key(seed)
    k1, k2 = jax.random.split(key)
    x = jax.random.randint(k1, (BATCH,), 0, TOTAL_CATEGORIES, dtype=jnp.int64 if jax.config.jax_enable_x64 else jnp.int32)
    # nn.Embedding default init: N(0, 1)
    table = jax.random.normal(k2, (TOTAL_CATEGORIES, EMBEDDING_DIM), dtype=jnp.float32)
    return {"x": x, "table": table}

def reference(x, table):
    # StandardEmbedding.forward: self.emb(x) -> gather rows of the table
    return jnp.take(table, x, axis=0)

if __name__ == "__main__":
    import jax
    _d = setup_inputs()
    print(jax.jit(kernel)(*tuple(_d.values())))

</pallas_src>

<mosaic_0001>
#map = affine_map<(d0, d1) -> (0)>
#map1 = affine_map<(d0, d1) -> (0, 0)>
module attributes {stable_mosaic.version = 14 : i64} {
  func.func @_emb_lookup(%arg0: i32, %arg1: i32, %arg2: memref<16384xi32, #tpu.memory_space<hbm>>, %arg3: memref<1000000x64xf32, #tpu.memory_space<hbm>>, %arg4: memref<16384x64xf32, #tpu.memory_space<hbm>>, %arg5: memref<512xi32, #tpu.memory_space<vmem>>, %arg6: memref<512x64xf32, #tpu.memory_space<vmem>>, %arg7: memref<!tpu.dma_semaphore, #tpu.memory_space<semaphore_mem>>, %arg8: memref<!tpu.dma_semaphore, #tpu.memory_space<semaphore_mem>>, %arg9: memref<!tpu.dma_semaphore, #tpu.memory_space<semaphore_mem>>, %arg10: memref<!tpu.dma_semaphore, #tpu.memory_space<semaphore_mem>>) attributes {dimension_semantics = [#tpu.dimension_semantics<core_parallel>, #tpu.dimension_semantics<subcore_parallel>], iteration_bounds = array<i64: 2, 16>, scalar_prefetch = 0 : i64, scratch_operands = 6 : i64, tpu.core_type = #tpu.core_type<sc_vector_subcore>, window_params = [{transform_indices = #map}, {transform_indices = #map1}, {transform_indices = #map1}]} {
    %mul3A = arith.constant 2 : i32
    %mul3A_0 = arith.muli %arg1, %mul3A : i32
    %add3A = arith.addi %mul3A_0, %arg0 : i32
    %mul3A_1 = arith.constant 512 : i32
    %mul3A_2 = arith.muli %add3A, %mul3A_1 : i32
    "tpu.region"() ({
      %run_scoped3A = tpu.sem_alloc : memref<!tpu.dma_semaphore, #tpu.memory_space<semaphore_mem>>
      %dma_start3A = tpu.memref_slice %arg2[%mul3A_2] : memref<16384xi32, #tpu.memory_space<hbm>> -> memref<512xi32, #tpu.memory_space<hbm>>
      %dma_start3A_12 = tpu.memref_slice %arg2[%mul3A_2] : memref<16384xi32, #tpu.memory_space<hbm>> -> memref<512xi32, #tpu.memory_space<hbm>>
      tpu.enqueue_dma source(%dma_start3A_12 : memref<512xi32, #tpu.memory_space<hbm>>) target(%arg5 : memref<512xi32, #tpu.memory_space<vmem>>) target_semaphore(%run_scoped3A : memref<!tpu.dma_semaphore, #tpu.memory_space<semaphore_mem>>)
      %dma_wait3A = tpu.memref_slice %arg2[%mul3A_2] : memref<16384xi32, #tpu.memory_space<hbm>> -> memref<512xi32, #tpu.memory_space<hbm>>
      %dma_wait3A_13 = tpu.memref_slice %arg2[%mul3A_2] : memref<16384xi32, #tpu.memory_space<hbm>> -> memref<512xi32, #tpu.memory_space<hbm>>
      tpu.wait_dma2 semaphore(%run_scoped3A : memref<!tpu.dma_semaphore, #tpu.memory_space<semaphore_mem>>) src(%dma_wait3A_13 : memref<512xi32, #tpu.memory_space<hbm>>) dst(%arg5 : memref<512xi32, #tpu.memory_space<vmem>>)
      tpu.yield
    }) : () -> ()
    %iota3A = tpu.iota {dimensions = array<i32: 0>} : vector<16xi32>
    %scan3A = arith.constant 0 : i32
    %scan3A_3 = arith.constant 32 : i32
    %scan3A_4 = arith.addi %scan3A, %scan3A_3 : i32
    %scan3A_5 = arith.constant 1 : i32
    scf.for %scan3A_12 = %scan3A to %scan3A_4 step %scan3A_5  : i32 {
      %mul3A_13 = arith.constant 16 : i32
      %mul3A_14 = arith.muli %scan3A_12, %mul3A_13 : i32
      %get3A = arith.index_cast %mul3A_14 : i32 to index
      %get3A_15 = tpu.vector_load %arg5[%get3A] {strides = array<i32>} : memref<512xi32, #tpu.memory_space<vmem>>, vector<16xi32>,
      %eq3A = arith.constant 0 : i32
      %eq3A_16 = vector.broadcast %eq3A : i32 to vector<16xi32>
      %eq3A_17 = arith.cmpi eq, %iota3A, %eq3A_16 : vector<16xi32>
      %jit3A = arith.constant 0 : i32
      %broadcast_in_dim3A = vector.broadcast %jit3A : i32 to vector<16xi32>
      %select_n3A = arith.select %eq3A_17, %get3A_15, %broadcast_in_dim3A : vector<16xi1>, vector<16xi32>
      %reduce_sum3A = arith.constant true
      %reduce_sum3A_18 = vector.broadcast %reduce_sum3A : i1 to vector<16xi1>
      %reduce_sum3A_19 = tpu.scan <sum>, %select_n3A masked %reduce_sum3A_18 : vector<16xi32>, vector<16xi1> -> vector<16xi32>
      %reduce_sum3A_20 = vector.extract %reduce_sum3A_19[15] : i32 from vector<16xi32>
      %mul3A_21 = arith.constant 16 : i32
      %mul3A_22 = arith.muli %scan3A_12, %mul3A_21 : i32
      %add3A_23 = arith.constant 0 : i32
      %add3A_24 = arith.addi %mul3A_22, %add3A_23 : i32
      %dma_start3A = arith.constant 0 : i32
      %dma_start3A_25 = tpu.memref_slice %arg6[%add3A_24, %dma_start3A] : memref<512x64xf32, #tpu.memory_space<vmem>> -> memref<1x64xf32, #tpu.memory_space<vmem>>
      %dma_start3A_26 = tpu.memref_squeeze %dma_start3A_25 : memref<1x64xf32, #tpu.memory_space<vmem>> -> memref<64xf32, #tpu.memory_space<vmem>>
      %dma_start3A_27 = arith.constant 0 : i32
      %dma_start3A_28 = tpu.memref_slice %arg3[%reduce_sum3A_20, %dma_start3A_27] : memref<1000000x64xf32, #tpu.memory_space<hbm>> -> memref<1x64xf32, #tpu.memory_space<hbm>>
      %dma_start3A_29 = tpu.memref_squeeze %dma_start3A_28 : memref<1x64xf32, #tpu.memory_space<hbm>> -> memref<64xf32, #tpu.memory_space<hbm>>
      %dma_start3A_30 = arith.constant 0 : i32
      %dma_start3A_31 = tpu.memref_slice %arg6[%add3A_24, %dma_start3A_30] : memref<512x64xf32, #tpu.memory_space<vmem>> -> memref<1x64xf32, #tpu.memory_space<vmem>>
      %dma_start3A_32 = tpu.memref_squeeze %dma_start3A_31 : memref<1x64xf32, #tpu.memory_space<vmem>> -> memref<64xf32, #tpu.memory_space<vmem>>
      %dma_start3A_33 = arith.constant 0 : i32
      %dma_start3A_34 = tpu.memref_slice %arg3[%reduce_sum3A_20, %dma_start3A_33] : memref<1000000x64xf32, #tpu.memory_space<hbm>> -> memref<1x64xf32, #tpu.memory_space<hbm>>
      %dma_start3A_35 = tpu.memref_squeeze %dma_start3A_34 : memref<1x64xf32, #tpu.memory_space<hbm>> -> memref<64xf32, #tpu.memory_space<hbm>>
      tpu.enqueue_dma source(%dma_start3A_35 : memref<64xf32, #tpu.memory_space<hbm>>) target(%dma_start3A_32 : memref<64xf32, #tpu.memory_space<vmem>>) target_semaphore(%arg7 : memref<!tpu.dma_semaphore, #tpu.memory_space<semaphore_mem>>)
      %eq3A_36 = arith.constant 1 : i32
      %eq3A_37 = vector.broadcast %eq3A_36 : i32 to vector<16xi32>
      %eq3A_38 = arith.cmpi eq, %iota3A, %eq3A_37 : vector<16xi32>
      %jit3A_39 = arith.constant 0 : i32
      %broadcast_in_dim3A_40 = vector.broadcast %jit3A_39 : i32 to vector<16xi32>
      %select_n3A_41 = arith.select %eq3A_38, %get3A_15, %broadcast_in_dim3A_40 : vector<16xi1>, vector<16xi32>
      %reduce_sum3A_42 = arith.constant true
      %reduce_sum3A_43 = vector.broadcast %reduce_sum3A_42 : i1 to vector<16xi1>
      %reduce_sum3A_44 = tpu.scan <sum>, %select_n3A_41 masked %reduce_sum3A_43 : vector<16xi32>, vector<16xi1> -> vector<16xi32>
      %reduce_sum3A_45 = vector.extract %reduce_sum3A_44[15] : i32 from vector<16xi32>
      %mul3A_46 = arith.constant 16 : i32
      %mul3A_47 = arith.muli %scan3A_12, %mul3A_46 : i32
      %add3A_48 = arith.constant 1 : i32
      %add3A_49 = arith.addi %mul3A_47, %add3A_48 : i32
      %dma_start3A_50 = arith.constant 0 : i32
      %dma_start3A_51 = tpu.memref_slice %arg6[%add3A_49, %dma_start3A_50] : memref<512x64xf32, #tpu.memory_space<vmem>> -> memref<1x64xf32, #tpu.memory_space<vmem>>
      %dma_start3A_52 = tpu.memref_squeeze %dma_start3A_51 : memref<1x64xf32, #tpu.memory_space<vmem>> -> memref<64xf32, #tpu.memory_space<vmem>>
      %dma_start3A_53 = arith.constant 0 : i32
      %dma_start3A_54 = tpu.memref_slice %arg3[%reduce_sum3A_45, %dma_start3A_53] : memref<1000000x64xf32, #tpu.memory_space<hbm>> -> memref<1x64xf32, #tpu.memory_space<hbm>>
      %dma_start3A_55 = tpu.memref_squeeze %dma_start3A_54 : memref<1x64xf32, #tpu.memory_space<hbm>> -> memref<64xf32, #tpu.memory_space<hbm>>
      %dma_start3A_56 = arith.constant 0 : i32
      %dma_start3A_57 = tpu.memref_slice %arg6[%add3A_49, %dma_start3A_56] : memref<512x64xf32, #tpu.memory_space<vmem>> -> memref<1x64xf32, #tpu.memory_space<vmem>>
      %dma_start3A_58 = tpu.memref_squeeze %dma_start3A_57 : memref<1x64xf32, #tpu.memory_space<vmem>> -> memref<64xf32, #tpu.memory_space<vmem>>
      %dma_start3A_59 = arith.constant 0 : i32
      %dma_start3A_60 = tpu.memref_slice %arg3[%reduce_sum3A_45, %dma_start3A_59] : memref<1000000x64xf32, #tpu.memory_space<hbm>> -> memref<1x64xf32, #tpu.memory_space<hbm>>
      %dma_start3A_61 = tpu.memref_squeeze %dma_start3A_60 : memref<1x64xf32, #tpu.memory_space<hbm>> -> memref<64xf32, #tpu.memory_space<hbm>>
      tpu.enqueue_dma source(%dma_start3A_61 : memref<64xf32, #tpu.memory_space<hbm>>) target(%dma_start3A_58 : memref<64xf32, #tpu.memory_space<vmem>>) target_semaphore(%arg8 : memref<!tpu.dma_semaphore, #tpu.memory_space<semaphore_mem>>)
      %eq3A_62 = arith.constant 2 : i32
      %eq3A_63 = vector.broadcast %eq3A_62 : i32 to vector<16xi32>
      %eq3A_64 = arith.cmpi eq, %iota3A, %eq3A_63 : vector<16xi32>
      %jit3A_65 = arith.constant 0 : i32
      %broadcast_in_dim3A_66 = vector.broadcast %jit3A_65 : i32 to vector<16xi32>
      %select_n3A_67 = arith.select %eq3A_64, %get3A_15, %broadcast_in_dim3A_66 : vector<16xi1>, vector<16xi32>
      %reduce_sum3A_68 = arith.constant true
      %reduce_sum3A_69 = vector.broadcast %reduce_sum3A_68 : i1 to vector<16xi1>
      %reduce_sum3A_70 = tpu.scan <sum>, %select_n3A_67 masked %reduce_sum3A_69 : vector<16xi32>, vector<16xi1> -> vector<16xi32>
      %reduce_sum3A_71 = vector.extract %reduce_sum3A_70[15] : i32 from vector<16xi32>
      %mul3A_72 = arith.constant 16 : i32
      %mul3A_73 = arith.muli %scan3A_12, %mul3A_72 : i32
      %add3A_74 = arith.constant 2 : i32
      %add3A_75 = arith.addi %mul3A_73, %add3A_74 : i32
      %dma_start3A_76 = arith.constant 0 : i32
      %dma_start3A_77 = tpu.memref_slice %arg6[%add3A_75, %dma_start3A_76] : memref<512x64xf32, #tpu.memory_space<vmem>> -> memref<1x64xf32, #tpu.memory_space<vmem>>
      %dma_start3A_78 = tpu.memref_squeeze %dma_start3A_77 : memref<1x64xf32, #tpu.memory_space<vmem>> -> memref<64xf32, #tpu.memory_space<vmem>>
      %dma_start3A_79 = arith.constant 0 : i32
      %dma_start3A_80 = tpu.memref_slice %arg3[%reduce_sum3A_71, %dma_start3A_79] : memref<1000000x64xf32, #tpu.memory_space<hbm>> -> memref<1x64xf32, #tpu.memory_space<hbm>>
      %dma_start3A_81 = tpu.memref_squeeze %dma_start3A_80 : memref<1x64xf32, #tpu.memory_space<hbm>> -> memref<64xf32, #tpu.memory_space<hbm>>
      %dma_start3A_82 = arith.constant 0 : i32
      %dma_start3A_83 = tpu.memref_slice %arg6[%add3A_75, %dma_start3A_82] : memref<512x64xf32, #tpu.memory_space<vmem>> -> memref<1x64xf32, #tpu.memory_space<vmem>>
      %dma_start3A_84 = tpu.memref_squeeze %dma_start3A_83 : memref<1x64xf32, #tpu.memory_space<vmem>> -> memref<64xf32, #tpu.memory_space<vmem>>
      %dma_start3A_85 = arith.constant 0 : i32
      %dma_start3A_86 = tpu.memref_slice %arg3[%reduce_sum3A_71, %dma_start3A_85] : memref<1000000x64xf32, #tpu.memory_space<hbm>> -> memref<1x64xf32, #tpu.memory_space<hbm>>
      %dma_start3A_87 = tpu.memref_squeeze %dma_start3A_86 : memref<1x64xf32, #tpu.memory_space<hbm>> -> memref<64xf32, #tpu.memory_space<hbm>>
      tpu.enqueue_dma source(%dma_start3A_87 : memref<64xf32, #tpu.memory_space<hbm>>) target(%dma_start3A_84 : memref<64xf32, #tpu.memory_space<vmem>>) target_semaphore(%arg9 : memref<!tpu.dma_semaphore, #tpu.memory_space<semaphore_mem>>)
      %eq3A_88 = arith.constant 3 : i32
      %eq3A_89 = vector.broadcast %eq3A_88 : i32 to vector<16xi32>
      %eq3A_90 = arith.cmpi eq, %iota3A, %eq3A_89 : vector<16xi32>
      %jit3A_91 = arith.constant 0 : i32
      %broadcast_in_dim3A_92 = vector.broadcast %jit3A_91 : i32 to vector<16xi32>
      %select_n3A_93 = arith.select %eq3A_90, %get3A_15, %broadcast_in_dim3A_92 : vector<16xi1>, vector<16xi32>
      %reduce_sum3A_94 = arith.constant true
      %reduce_sum3A_95 = vector.broadcast %reduce_sum3A_94 : i1 to vector<16xi1>
      %reduce_sum3A_96 = tpu.scan <sum>, %select_n3A_93 masked %reduce_sum3A_95 : vector<16xi32>, vector<16xi1> -> vector<16xi32>
      %reduce_sum3A_97 = vector.extract %reduce_sum3A_96[15] : i32 from vector<16xi32>
      %mul3A_98 = arith.constant 16 : i32
      %mul3A_99 = arith.muli %scan3A_12, %mul3A_98 : i32
      %add3A_100 = arith.constant 3 : i32
      %add3A_101 = arith.addi %mul3A_99, %add3A_100 : i32
      %dma_start3A_102 = arith.constant 0 : i32
      %dma_start3A_103 = tpu.memref_slice %arg6[%add3A_101, %dma_start3A_102] : memref<512x64xf32, #tpu.memory_space<vmem>> -> memref<1x64xf32, #tpu.memory_space<vmem>>
      %dma_start3A_104 = tpu.memref_squeeze %dma_start3A_103 : memref<1x64xf32, #tpu.memory_space<vmem>> -> memref<64xf32, #tpu.memory_space<vmem>>
      %dma_start3A_105 = arith.constant 0 : i32
      %dma_start3A_106 = tpu.memref_slice %arg3[%reduce_sum3A_97, %dma_start3A_105] : memref<1000000x64xf32, #tpu.memory_space<hbm>> -> memref<1x64xf32, #tpu.memory_space<hbm>>
      %dma_start3A_107 = tpu.memref_squeeze %dma_start3A_106 : memref<1x64xf32, #tpu.memory_space<hbm>> -> memref<64xf32, #tpu.memory_space<hbm>>
      %dma_start3A_108 = arith.constant 0 : i32
      %dma_start3A_109 = tpu.memref_slice %arg6[%add3A_101, %dma_start3A_108] : memref<512x64xf32, #tpu.memory_space<vmem>> -> memref<1x64xf32, #tpu.memory_space<vmem>>
      %dma_start3A_110 = tpu.memref_squeeze %dma_start3A_109 : memref<1x64xf32, #tpu.memory_space<vmem>> -> memref<64xf32, #tpu.memory_space<vmem>>
      %dma_start3A_111 = arith.constant 0 : i32
      %dma_start3A_112 = tpu.memref_slice %arg3[%reduce_sum3A_97, %dma_start3A_111] : memref<1000000x64xf32, #tpu.memory_space<hbm>> -> memref<1x64xf32, #tpu.memory_space<hbm>>
      %dma_start3A_113 = tpu.memref_squeeze %dma_start3A_112 : memref<1x64xf32, #tpu.memory_space<hbm>> -> memref<64xf32, #tpu.memory_space<hbm>>
      tpu.enqueue_dma source(%dma_start3A_113 : memref<64xf32, #tpu.memory_space<hbm>>) target(%dma_start3A_110 : memref<64xf32, #tpu.memory_space<vmem>>) target_semaphore(%arg10 : memref<!tpu.dma_semaphore, #tpu.memory_space<semaphore_mem>>)
      %eq3A_114 = arith.constant 4 : i32
      %eq3A_115 = vector.broadcast %eq3A_114 : i32 to vector<16xi32>
      %eq3A_116 = arith.cmpi eq, %iota3A, %eq3A_115 : vector<16xi32>
      %jit3A_117 = arith.constant 0 : i32
      %broadcast_in_dim3A_118 = vector.broadcast %jit3A_117 : i32 to vector<16xi32>
      %select_n3A_119 = arith.select %eq3A_116, %get3A_15, %broadcast_in_dim3A_118 : vector<16xi1>, vector<16xi32>
      %reduce_sum3A_120 = arith.constant true
      %reduce_sum3A_121 = vector.broadcast %reduce_sum3A_120 : i1 to vector<16xi1>
      %reduce_sum3A_122 = tpu.scan <sum>, %select_n3A_119 masked %reduce_sum3A_121 : vector<16xi32>, vector<16xi1> -> vector<16xi32>
      %reduce_sum3A_123 = vector.extract %reduce_sum3A_122[15] : i32 from vector<16xi32>
      %mul3A_124 = arith.constant 16 : i32
      %mul3A_125 = arith.muli %scan3A_12, %mul3A_124 : i32
      %add3A_126 = arith.constant 4 : i32
      %add3A_127 = arith.addi %mul3A_125, %add3A_126 : i32
      %dma_start3A_128 = arith.constant 0 : i32
      %dma_start3A_129 = tpu.memref_slice %arg6[%add3A_127, %dma_start3A_128] : memref<512x64xf32, #tpu.memory_space<vmem>> -> memref<1x64xf32, #tpu.memory_space<vmem>>
      %dma_start3A_130 = tpu.memref_squeeze %dma_start3A_129 : memref<1x64xf32, #tpu.memory_space<vmem>> -> memref<64xf32, #tpu.memory_space<vmem>>
      %dma_start3A_131 = arith.constant 0 : i32
      %dma_start3A_132 = tpu.memref_slice %arg3[%reduce_sum3A_123, %dma_start3A_131] : memref<1000000x64xf32, #tpu.memory_space<hbm>> -> memref<1x64xf32, #tpu.memory_space<hbm>>
      %dma_start3A_133 = tpu.memref_squeeze %dma_start3A_132 : memref<1x64xf32, #tpu.memory_space<hbm>> -> memref<64xf32, #tpu.memory_space<hbm>>
      %dma_start3A_134 = arith.constant 0 : i32
      %dma_start3A_135 = tpu.memref_slice %arg6[%add3A_127, %dma_start3A_134] : memref<512x64xf32, #tpu.memory_space<vmem>> -> memref<1x64xf32, #tpu.memory_space<vmem>>
      %dma_start3A_136 = tpu.memref_squeeze %dma_start3A_135 : memref<1x64xf32, #tpu.memory_space<vmem>> -> memref<64xf32, #tpu.memory_space<vmem>>
      %dma_start3A_137 = arith.constant 0 : i32
      %dma_start3A_138 = tpu.memref_slice %arg3[%reduce_sum3A_123, %dma_start3A_137] : memref<1000000x64xf32, #tpu.memory_space<hbm>> -> memref<1x64xf32, #tpu.memory_space<hbm>>
      %dma_start3A_139 = tpu.memref_squeeze %dma_start3A_138 : memref<1x64xf32, #tpu.memory_space<hbm>> -> memref<64xf32, #tpu.memory_space<hbm>>
      tpu.enqueue_dma source(%dma_start3A_139 : memref<64xf32, #tpu.memory_space<hbm>>) target(%dma_start3A_136 : memref<64xf32, #tpu.memory_space<vmem>>) target_semaphore(%arg7 : memref<!tpu.dma_semaphore, #tpu.memory_space<semaphore_mem>>)
      %eq3A_140 = arith.constant 5 : i32
      %eq3A_141 = vector.broadcast %eq3A_140 : i32 to vector<16xi32>
      %eq3A_142 = arith.cmpi eq, %iota3A, %eq3A_141 : vector<16xi32>
      %jit3A_143 = arith.constant 0 : i32
      %broadcast_in_dim3A_144 = vector.broadcast %jit3A_143 : i32 to vector<16xi32>
      %select_n3A_145 = arith.select %eq3A_142, %get3A_15, %broadcast_in_dim3A_144 : vector<16xi1>, vector<16xi32>
      %reduce_sum3A_146 = arith.constant true
      %reduce_sum3A_147 = vector.broadcast %reduce_sum3A_146 : i1 to vector<16xi1>
      %reduce_sum3A_148 = tpu.scan <sum>, %select_n3A_145 masked %reduce_sum3A_147 : vector<16xi32>, vector<16xi1> -> vector<16xi32>
      %reduce_sum3A_149 = vector.extract %reduce_sum3A_148[15] : i32 from vector<16xi32>
      %mul3A_150 = arith.constant 16 : i32
      %mul3A_151 = arith.muli %scan3A_12, %mul3A_150 : i32
      %add3A_152 = arith.constant 5 : i32
      %add3A_153 = arith.addi %mul3A_151, %add3A_152 : i32
      %dma_start3A_154 = arith.constant 0 : i32
      %dma_start3A_155 = tpu.memref_slice %arg6[%add3A_153, %dma_start3A_154] : memref<512x64xf32, #tpu.memory_space<vmem>> -> memref<1x64xf32, #tpu.memory_space<vmem>>
      %dma_start3A_156 = tpu.memref_squeeze %dma_start3A_155 : memref<1x64xf32, #tpu.memory_space<vmem>> -> memref<64xf32, #tpu.memory_space<vmem>>
      %dma_start3A_157 = arith.constant 0 : i32
      %dma_start3A_158 = tpu.memref_slice %arg3[%reduce_sum3A_149, %dma_start3A_157] : memref<1000000x64xf32, #tpu.memory_space<hbm>> -> memref<1x64xf32, #tpu.memory_space<hbm>>
      %dma_start3A_159 = tpu.memref_squeeze %dma_start3A_158 : memref<1x64xf32, #tpu.memory_space<hbm>> -> memref<64xf32, #tpu.memory_space<hbm>>
      %dma_start3A_160 = arith.constant 0 : i32
      %dma_start3A_161 = tpu.memref_slice %arg6[%add3A_153, %dma_start3A_160] : memref<512x64xf32, #tpu.memory_space<vmem>> -> memref<1x64xf32, #tpu.memory_space<vmem>>
      %dma_start3A_162 = tpu.memref_squeeze %dma_start3A_161 : memref<1x64xf32, #tpu.memory_space<vmem>> -> memref<64xf32, #tpu.memory_space<vmem>>
      %dma_start3A_163 = arith.constant 0 : i32
      %dma_start3A_164 = tpu.memref_slice %arg3[%reduce_sum3A_149, %dma_start3A_163] : memref<1000000x64xf32, #tpu.memory_space<hbm>> -> memref<1x64xf32, #tpu.memory_space<hbm>>
      %dma_start3A_165 = tpu.memref_squeeze %dma_start3A_164 : memref<1x64xf32, #tpu.memory_space<hbm>> -> memref<64xf32, #tpu.memory_space<hbm>>
      tpu.enqueue_dma source(%dma_start3A_165 : memref<64xf32, #tpu.memory_space<hbm>>) target(%dma_start3A_162 : memref<64xf32, #tpu.memory_space<vmem>>) target_semaphore(%arg8 : memref<!tpu.dma_semaphore, #tpu.memory_space<semaphore_mem>>)
      %eq3A_166 = arith.constant 6 : i32
      %eq3A_167 = vector.broadcast %eq3A_166 : i32 to vector<16xi32>
      %eq3A_168 = arith.cmpi eq, %iota3A, %eq3A_167 : vector<16xi32>
      %jit3A_169 = arith.constant 0 : i32
      %broadcast_in_dim3A_170 = vector.broadcast %jit3A_169 : i32 to vector<16xi32>
      %select_n3A_171 = arith.select %eq3A_168, %get3A_15, %broadcast_in_dim3A_170 : vector<16xi1>, vector<16xi32>
      %reduce_sum3A_172 = arith.constant true
      %reduce_sum3A_173 = vector.broadcast %reduce_sum3A_172 : i1 to vector<16xi1>
      %reduce_sum3A_174 = tpu.scan <sum>, %select_n3A_171 masked %reduce_sum3A_173 : vector<16xi32>, vector<16xi1> -> vector<16xi32>
      %reduce_sum3A_175 = vector.extract %reduce_sum3A_174[15] : i32 from vector<16xi32>
      %mul3A_176 = arith.constant 16 : i32
      %mul3A_177 = arith.muli %scan3A_12, %mul3A_176 : i32
      %add3A_178 = arith.constant 6 : i32
      %add3A_179 = arith.addi %mul3A_177, %add3A_178 : i32
      %dma_start3A_180 = arith.constant 0 : i32
      %dma_start3A_181 = tpu.memref_slice %arg6[%add3A_179, %dma_start3A_180] : memref<512x64xf32, #tpu.memory_space<vmem>> -> memref<1x64xf32, #tpu.memory_space<vmem>>
      %dma_start3A_182 = tpu.memref_squeeze %dma_start3A_181 : memref<1x64xf32, #tpu.memory_space<vmem>> -> memref<64xf32, #tpu.memory_space<vmem>>
      %dma_start3A_183 = arith.constant 0 : i32
      %dma_start3A_184 = tpu.memref_slice %arg3[%reduce_sum3A_175, %dma_start3A_183] : memref<1000000x64xf32, #tpu.memory_space<hbm>> -> memref<1x64xf32, #tpu.memory_space<hbm>>
      %dma_start3A_185 = tpu.memref_squeeze %dma_start3A_184 : memref<1x64xf32, #tpu.memory_space<hbm>> -> memref<64xf32, #tpu.memory_space<hbm>>
      %dma_start3A_186 = arith.constant 0 : i32
      %dma_start3A_187 = tpu.memref_slice %arg6[%add3A_179, %dma_start3A_186] : memref<512x64xf32, #tpu.memory_space<vmem>> -> memref<1x64xf32, #tpu.memory_space<vmem>>
      %dma_start3A_188 = tpu.memref_squeeze %dma_start3A_187 : memref<1x64xf32, #tpu.memory_space<vmem>> -> memref<64xf32, #tpu.memory_space<vmem>>
      %dma_start3A_189 = arith.constant 0 : i32
      %dma_start3A_190 = tpu.memref_slice %arg3[%reduce_sum3A_175, %dma_start3A_189] : memref<1000000x64xf32, #tpu.memory_space<hbm>> -> memref<1x64xf32, #tpu.memory_space<hbm>>
      %dma_start3A_191 = tpu.memref_squeeze %dma_start3A_190 : memref<1x64xf32, #tpu.memory_space<hbm>> -> memref<64xf32, #tpu.memory_space<hbm>>
      tpu.enqueue_dma source(%dma_start3A_191 : memref<64xf32, #tpu.memory_space<hbm>>) target(%dma_start3A_188 : memref<64xf32, #tpu.memory_space<vmem>>) target_semaphore(%arg9 : memref<!tpu.dma_semaphore, #tpu.memory_space<semaphore_mem>>)
      %eq3A_192 = arith.constant 7 : i32
      %eq3A_193 = vector.broadcast %eq3A_192 : i32 to vector<16xi32>
      %eq3A_194 = arith.cmpi eq, %iota3A, %eq3A_193 : vector<16xi32>
      %jit3A_195 = arith.constant 0 : i32
      %broadcast_in_dim3A_196 = vector.broadcast %jit3A_195 : i32 to vector<16xi32>
      %select_n3A_197 = arith.select %eq3A_194, %get3A_15, %broadcast_in_dim3A_196 : vector<16xi1>, vector<16xi32>
      %reduce_sum3A_198 = arith.constant true
      %reduce_sum3A_199 = vector.broadcast %reduce_sum3A_198 : i1 to vector<16xi1>
      %reduce_sum3A_200 = tpu.scan <sum>, %select_n3A_197 masked %reduce_sum3A_199 : vector<16xi32>, vector<16xi1> -> vector<16xi32>
      %reduce_sum3A_201 = vector.extract %reduce_sum3A_200[15] : i32 from vector<16xi32>
      %mul3A_202 = arith.constant 16 : i32
      %mul3A_203 = arith.muli %scan3A_12, %mul3A_202 : i32
      %add3A_204 = arith.constant 7 : i32
      %add3A_205 = arith.addi %mul3A_203, %add3A_204 : i32
      %dma_start3A_206 = arith.constant 0 : i32
      %dma_start3A_207 = tpu.memref_slice %arg6[%add3A_205, %dma_start3A_206] : memref<512x64xf32, #tpu.memory_space<vmem>> -> memref<1x64xf32, #tpu.memory_space<vmem>>
      %dma_start3A_208 = tpu.memref_squeeze %dma_start3A_207 : memref<1x64xf32, #tpu.memory_space<vmem>> -> memref<64xf32, #tpu.memory_space<vmem>>
      %dma_start3A_209 = arith.constant 0 : i32
      %dma_start3A_210 = tpu.memref_slice %arg3[%reduce_sum3A_201, %dma_start3A_209] : memref<1000000x64xf32, #tpu.memory_space<hbm>> -> memref<1x64xf32, #tpu.memory_space<hbm>>
      %dma_start3A_211 = tpu.memref_squeeze %dma_start3A_210 : memref<1x64xf32, #tpu.memory_space<hbm>> -> memref<64xf32, #tpu.memory_space<hbm>>
      %dma_start3A_212 = arith.constant 0 : i32
      %dma_start3A_213 = tpu.memref_slice %arg6[%add3A_205, %dma_start3A_212] : memref<512x64xf32, #tpu.memory_space<vmem>> -> memref<1x64xf32, #tpu.memory_space<vmem>>
      %dma_start3A_214 = tpu.memref_squeeze %dma_start3A_213 : memref<1x64xf32, #tpu.memory_space<vmem>> -> memref<64xf32, #tpu.memory_space<vmem>>
      %dma_start3A_215 = arith.constant 0 : i32
      %dma_start3A_216 = tpu.memref_slice %arg3[%reduce_sum3A_201, %dma_start3A_215] : memref<1000000x64xf32, #tpu.memory_space<hbm>> -> memref<1x64xf32, #tpu.memory_space<hbm>>
      %dma_start3A_217 = tpu.memref_squeeze %dma_start3A_216 : memref<1x64xf32, #tpu.memory_space<hbm>> -> memref<64xf32, #tpu.memory_space<hbm>>
      tpu.enqueue_dma source(%dma_start3A_217 : memref<64xf32, #tpu.memory_space<hbm>>) target(%dma_start3A_214 : memref<64xf32, #tpu.memory_space<vmem>>) target_semaphore(%arg10 : memref<!tpu.dma_semaphore, #tpu.memory_space<semaphore_mem>>)
      %eq3A_218 = arith.constant 8 : i32
      %eq3A_219 = vector.broadcast %eq3A_218 : i32 to vector<16xi32>
      %eq3A_220 = arith.cmpi eq, %iota3A, %eq3A_219 : vector<16xi32>
      %jit3A_221 = arith.constant 0 : i32
      %broadcast_in_dim3A_222 = vector.broadcast %jit3A_221 : i32 to vector<16xi32>
      %select_n3A_223 = arith.select %eq3A_220, %get3A_15, %broadcast_in_dim3A_222 : vector<16xi1>, vector<16xi32>
      %reduce_sum3A_224 = arith.constant true
      %reduce_sum3A_225 = vector.broadcast %reduce_sum3A_224 : i1 to vector<16xi1>
      %reduce_sum3A_226 = tpu.scan <sum>, %select_n3A_223 masked %reduce_sum3A_225 : vector<16xi32>, vector<16xi1> -> vector<16xi32>
      %reduce_sum3A_227 = vector.extract %reduce_sum3A_226[15] : i32 from vector<16xi32>
      %mul3A_228 = arith.constant 16 : i32
      %mul3A_229 = arith.muli %scan3A_12, %mul3A_228 : i32
      %add3A_230 = arith.constant 8 : i32
      %add3A_231 = arith.addi %mul3A_229, %add3A_230 : i32
      %dma_start3A_232 = arith.constant 0 : i32
      %dma_start3A_233 = tpu.memref_slice %arg6[%add3A_231, %dma_start3A_232] : memref<512x64xf32, #tpu.memory_space<vmem>> -> memref<1x64xf32, #tpu.memory_space<vmem>>
      %dma_start3A_234 = tpu.memref_squeeze %dma_start3A_233 : memref<1x64xf32, #tpu.memory_space<vmem>> -> memref<64xf32, #tpu.memory_space<vmem>>
      %dma_start3A_235 = arith.constant 0 : i32
      %dma_start3A_236 = tpu.memref_slice %arg3[%reduce_sum3A_227, %dma_start3A_235] : memref<1000000x64xf32, #tpu.memory_space<hbm>> -> memref<1x64xf32, #tpu.memory_space<hbm>>
      %dma_start3A_237 = tpu.memref_squeeze %dma_start3A_236 : memref<1x64xf32, #tpu.memory_space<hbm>> -> memref<64xf32, #tpu.memory_space<hbm>>
      %dma_start3A_238 = arith.constant 0 : i32
      %dma_start3A_239 = tpu.memref_slice %arg6[%add3A_231, %dma_start3A_238] : memref<512x64xf32, #tpu.memory_space<vmem>> -> memref<1x64xf32, #tpu.memory_space<vmem>>
      %dma_start3A_240 = tpu.memref_squeeze %dma_start3A_239 : memref<1x64xf32, #tpu.memory_space<vmem>> -> memref<64xf32, #tpu.memory_space<vmem>>
      %dma_start3A_241 = arith.constant 0 : i32
      %dma_start3A_242 = tpu.memref_slice %arg3[%reduce_sum3A_227, %dma_start3A_241] : memref<1000000x64xf32, #tpu.memory_space<hbm>> -> memref<1x64xf32, #tpu.memory_space<hbm>>
      %dma_start3A_243 = tpu.memref_squeeze %dma_start3A_242 : memref<1x64xf32, #tpu.memory_space<hbm>> -> memref<64xf32, #tpu.memory_space<hbm>>
      tpu.enqueue_dma source(%dma_start3A_243 : memref<64xf32, #tpu.memory_space<hbm>>) target(%dma_start3A_240 : memref<64xf32, #tpu.memory_space<vmem>>) target_semaphore(%arg7 : memref<!tpu.dma_semaphore, #tpu.memory_space<semaphore_mem>>)
      %eq3A_244 = arith.constant 9 : i32
      %eq3A_245 = vector.broadcast %eq3A_244 : i32 to vector<16xi32>
      %eq3A_246 = arith.cmpi eq, %iota3A, %eq3A_245 : vector<16xi32>
      %jit3A_247 = arith.constant 0 : i32
      %broadcast_in_dim3A_248 = vector.broadcast %jit3A_247 : i32 to vector<16xi32>
      %select_n3A_249 = arith.select %eq3A_246, %get3A_15, %broadcast_in_dim3A_248 : vector<16xi1>, vector<16xi32>
      %reduce_sum3A_250 = arith.constant true
      %reduce_sum3A_251 = vector.broadcast %reduce_sum3A_250 : i1 to vector<16xi1>
      %reduce_sum3A_252 = tpu.scan <sum>, %select_n3A_249 masked %reduce_sum3A_251 : vector<16xi32>, vector<16xi1> -> vector<16xi32>
      %reduce_sum3A_253 = vector.extract %reduce_sum3A_252[15] : i32 from vector<16xi32>
      %mul3A_254 = arith.constant 16 : i32
      %mul3A_255 = arith.muli %scan3A_12, %mul3A_254 : i32
      %add3A_256 = arith.constant 9 : i32
      %add3A_257 = arith.addi %mul3A_255, %add3A_256 : i32
      %dma_start3A_258 = arith.constant 0 : i32
      %dma_start3A_259 = tpu.memref_slice %arg6[%add3A_257, %dma_start3A_258] : memref<512x64xf32, #tpu.memory_space<vmem>> -> memref<1x64xf32, #tpu.memory_space<vmem>>
      %dma_start3A_260 = tpu.memref_squeeze %dma_start3A_259 : memref<1x64xf32, #tpu.memory_space<vmem>> -> memref<64xf32, #tpu.memory_space<vmem>>
      %dma_start3A_261 = arith.constant 0 : i32
      %dma_start3A_262 = tpu.memref_slice %arg3[%reduce_sum3A_253, %dma_start3A_261] : memref<1000000x64xf32, #tpu.memory_space<hbm>> -> memref<1x64xf32, #tpu.memory_space<hbm>>
      %dma_start3A_263 = tpu.memref_squeeze %dma_start3A_262 : memref<1x64xf32, #tpu.memory_space<hbm>> -> memref<64xf32, #tpu.memory_space<hbm>>
      %dma_start3A_264 = arith.constant 0 : i32
      %dma_start3A_265 = tpu.memref_slice %arg6[%add3A_257, %dma_start3A_264] : memref<512x64xf32, #tpu.memory_space<vmem>> -> memref<1x64xf32, #tpu.memory_space<vmem>>
      %dma_start3A_266 = tpu.memref_squeeze %dma_start3A_265 : memref<1x64xf32, #tpu.memory_space<vmem>> -> memref<64xf32, #tpu.memory_space<vmem>>
      %dma_start3A_267 = arith.constant 0 : i32
      %dma_start3A_268 = tpu.memref_slice %arg3[%reduce_sum3A_253, %dma_start3A_267] : memref<1000000x64xf32, #tpu.memory_space<hbm>> -> memref<1x64xf32, #tpu.memory_space<hbm>>
      %dma_start3A_269 = tpu.memref_squeeze %dma_start3A_268 : memref<1x64xf32, #tpu.memory_space<hbm>> -> memref<64xf32, #tpu.memory_space<hbm>>
      tpu.enqueue_dma source(%dma_start3A_269 : memref<64xf32, #tpu.memory_space<hbm>>) target(%dma_start3A_266 : memref<64xf32, #tpu.memory_space<vmem>>) target_semaphore(%arg8 : memref<!tpu.dma_semaphore, #tpu.memory_space<semaphore_mem>>)
      %eq3A_270 = arith.constant 10 : i32
      %eq3A_271 = vector.broadcast %eq3A_270 : i32 to vector<16xi32>
      %eq3A_272 = arith.cmpi eq, %iota3A, %eq3A_271 : vector<16xi32>
      %jit3A_273 = arith.constant 0 : i32
      %broadcast_in_dim3A_274 = vector.broadcast %jit3A_273 : i32 to vector<16xi32>
      %select_n3A_275 = arith.select %eq3A_272, %get3A_15, %broadcast_in_dim3A_274 : vector<16xi1>, vector<16xi32>
      %reduce_sum3A_276 = arith.constant true
      %reduce_sum3A_277 = vector.broadcast %reduce_sum3A_276 : i1 to vector<16xi1>
      %reduce_sum3A_278 = tpu.scan <sum>, %select_n3A_275 masked %reduce_sum3A_277 : vector<16xi32>, vector<16xi1> -> vector<16xi32>
      %reduce_sum3A_279 = vector.extract %reduce_sum3A_278[15] : i32 from vector<16xi32>
      %mul3A_280 = arith.constant 16 : i32
      %mul3A_281 = arith.muli %scan3A_12, %mul3A_280 : i32
      %add3A_282 = arith.constant 10 : i32
      %add3A_283 = arith.addi %mul3A_281, %add3A_282 : i32
      %dma_start3A_284 = arith.constant 0 : i32
      %dma_start3A_285 = tpu.memref_slice %arg6[%add3A_283, %dma_start3A_284] : memref<512x64xf32, #tpu.memory_space<vmem>> -> memref<1x64xf32, #tpu.memory_space<vmem>>
      %dma_start3A_286 = tpu.memref_squeeze %dma_start3A_285 : memref<1x64xf32, #tpu.memory_space<vmem>> -> memref<64xf32, #tpu.memory_space<vmem>>
      %dma_start3A_287 = arith.constant 0 : i32
      %dma_start3A_288 = tpu.memref_slice %arg3[%reduce_sum3A_279, %dma_start3A_287] : memref<1000000x64xf32, #tpu.memory_space<hbm>> -> memref<1x64xf32, #tpu.memory_space<hbm>>
      %dma_start3A_289 = tpu.memref_squeeze %dma_start3A_288 : memref<1x64xf32, #tpu.memory_space<hbm>> -> memref<64xf32, #tpu.memory_space<hbm>>
      %dma_start3A_290 = arith.constant 0 : i32
      %dma_start3A_291 = tpu.memref_slice %arg6[%add3A_283, %dma_start3A_290] : memref<512x64xf32, #tpu.memory_space<vmem>> -> memref<1x64xf32, #tpu.memory_space<vmem>>
      %dma_start3A_292 = tpu.memref_squeeze %dma_start3A_291 : memref<1x64xf32, #tpu.memory_space<vmem>> -> memref<64xf32, #tpu.memory_space<vmem>>
      %dma_start3A_293 = arith.constant 0 : i32
      %dma_start3A_294 = tpu.memref_slice %arg3[%reduce_sum3A_279, %dma_start3A_293] : memref<1000000x64xf32, #tpu.memory_space<hbm>> -> memref<1x64xf32, #tpu.memory_space<hbm>>
      %dma_start3A_295 = tpu.memref_squeeze %dma_start3A_294 : memref<1x64xf32, #tpu.memory_space<hbm>> -> memref<64xf32, #tpu.memory_space<hbm>>
      tpu.enqueue_dma source(%dma_start3A_295 : memref<64xf32, #tpu.memory_space<hbm>>) target(%dma_start3A_292 : memref<64xf32, #tpu.memory_space<vmem>>) target_semaphore(%arg9 : memref<!tpu.dma_semaphore, #tpu.memory_space<semaphore_mem>>)
      %eq3A_296 = arith.constant 11 : i32
      %eq3A_297 = vector.broadcast %eq3A_296 : i32 to vector<16xi32>
      %eq3A_298 = arith.cmpi eq, %iota3A, %eq3A_297 : vector<16xi32>
      %jit3A_299 = arith.constant 0 : i32
      %broadcast_in_dim3A_300 = vector.broadcast %jit3A_299 : i32 to vector<16xi32>
      %select_n3A_301 = arith.select %eq3A_298, %get3A_15, %broadcast_in_dim3A_300 : vector<16xi1>, vector<16xi32>
      %reduce_sum3A_302 = arith.constant true
      %reduce_sum3A_303 = vector.broadcast %reduce_sum3A_302 : i1 to vector<16xi1>
      %reduce_sum3A_304 = tpu.scan <sum>, %select_n3A_301 masked %reduce_sum3A_303 : vector<16xi32>, vector<16xi1> -> vector<16xi32>
      %reduce_sum3A_305 = vector.extract %reduce_sum3A_304[15] : i32 from vector<16xi32>
      %mul3A_306 = arith.constant 16 : i32
      %mul3A_307 = arith.muli %scan3A_12, %mul3A_306 : i32
      %add3A_308 = arith.constant 11 : i32
      %add3A_309 = arith.addi %mul3A_307, %add3A_308 : i32
      %dma_start3A_310 = arith.constant 0 : i32
      %dma_start3A_311 = tpu.memref_slice %arg6[%add3A_309, %dma_start3A_310] : memref<512x64xf32, #tpu.memory_space<vmem>> -> memref<1x64xf32, #tpu.memory_space<vmem>>
      %dma_start3A_312 = tpu.memref_squeeze %dma_start3A_311 : memref<1x64xf32, #tpu.memory_space<vmem>> -> memref<64xf32, #tpu.memory_space<vmem>>
      %dma_start3A_313 = arith.constant 0 : i32
      %dma_start3A_314 = tpu.memref_slice %arg3[%reduce_sum3A_305, %dma_start3A_313] : memref<1000000x64xf32, #tpu.memory_space<hbm>> -> memref<1x64xf32, #tpu.memory_space<hbm>>
      %dma_start3A_315 = tpu.memref_squeeze %dma_start3A_314 : memref<1x64xf32, #tpu.memory_space<hbm>> -> memref<64xf32, #tpu.memory_space<hbm>>
      %dma_start3A_316 = arith.constant 0 : i32
      %dma_start3A_317 = tpu.memref_slice %arg6[%add3A_309, %dma_start3A_316] : memref<512x64xf32, #tpu.memory_space<vmem>> -> memref<1x64xf32, #tpu.memory_space<vmem>>
      %dma_start3A_318 = tpu.memref_squeeze %dma_start3A_317 : memref<1x64xf32, #tpu.memory_space<vmem>> -> memref<64xf32, #tpu.memory_space<vmem>>
      %dma_start3A_319 = arith.constant 0 : i32
      %dma_start3A_320 = tpu.memref_slice %arg3[%reduce_sum3A_305, %dma_start3A_319] : memref<1000000x64xf32, #tpu.memory_space<hbm>> -> memref<1x64xf32, #tpu.memory_space<hbm>>
      %dma_start3A_321 = tpu.memref_squeeze %dma_start3A_320 : memref<1x64xf32, #tpu.memory_space<hbm>> -> memref<64xf32, #tpu.memory_space<hbm>>
      tpu.enqueue_dma source(%dma_start3A_321 : memref<64xf32, #tpu.memory_space<hbm>>) target(%dma_start3A_318 : memref<64xf32, #tpu.memory_space<vmem>>) target_semaphore(%arg10 : memref<!tpu.dma_semaphore, #tpu.memory_space<semaphore_mem>>)
      %eq3A_322 = arith.constant 12 : i32
      %eq3A_323 = vector.broadcast %eq3A_322 : i32 to vector<16xi32>
      %eq3A_324 = arith.cmpi eq, %iota3A, %eq3A_323 : vector<16xi32>
      %jit3A_325 = arith.constant 0 : i32
      %broadcast_in_dim3A_326 = vector.broadcast %jit3A_325 : i32 to vector<16xi32>
      %select_n3A_327 = arith.select %eq3A_324, %get3A_15, %broadcast_in_dim3A_326 : vector<16xi1>, vector<16xi32>
      %reduce_sum3A_328 = arith.constant true
      %reduce_sum3A_329 = vector.broadcast %reduce_sum3A_328 : i1 to vector<16xi1>
      %reduce_sum3A_330 = tpu.scan <sum>, %select_n3A_327 masked %reduce_sum3A_329 : vector<16xi32>, vector<16xi1> -> vector<16xi32>
      %reduce_sum3A_331 = vector.extract %reduce_sum3A_330[15] : i32 from vector<16xi32>
      %mul3A_332 = arith.constant 16 : i32
      %mul3A_333 = arith.muli %scan3A_12, %mul3A_332 : i32
      %add3A_334 = arith.constant 12 : i32
      %add3A_335 = arith.addi %mul3A_333, %add3A_334 : i32
      %dma_start3A_336 = arith.constant 0 : i32
      %dma_start3A_337 = tpu.memref_slice %arg6[%add3A_335, %dma_start3A_336] : memref<512x64xf32, #tpu.memory_space<vmem>> -> memref<1x64xf32, #tpu.memory_space<vmem>>
      %dma_start3A_338 = tpu.memref_squeeze %dma_start3A_337 : memref<1x64xf32, #tpu.memory_space<vmem>> -> memref<64xf32, #tpu.memory_space<vmem>>
      %dma_start3A_339 = arith.constant 0 : i32
      %dma_start3A_340 = tpu.memref_slice %arg3[%reduce_sum3A_331, %dma_start3A_339] : memref<1000000x64xf32, #tpu.memory_space<hbm>> -> memref<1x64xf32, #tpu.memory_space<hbm>>
      %dma_start3A_341 = tpu.memref_squeeze %dma_start3A_340 : memref<1x64xf32, #tpu.memory_space<hbm>> -> memref<64xf32, #tpu.memory_space<hbm>>
      %dma_start3A_342 = arith.constant 0 : i32
      %dma_start3A_343 = tpu.memref_slice %arg6[%add3A_335, %dma_start3A_342] : memref<512x64xf32, #tpu.memory_space<vmem>> -> memref<1x64xf32, #tpu.memory_space<vmem>>
      %dma_start3A_344 = tpu.memref_squeeze %dma_start3A_343 : memref<1x64xf32, #tpu.memory_space<vmem>> -> memref<64xf32, #tpu.memory_space<vmem>>
      %dma_start3A_345 = arith.constant 0 : i32
      %dma_start3A_346 = tpu.memref_slice %arg3[%reduce_sum3A_331, %dma_start3A_345] : memref<1000000x64xf32, #tpu.memory_space<hbm>> -> memref<1x64xf32, #tpu.memory_space<hbm>>
      %dma_start3A_347 = tpu.memref_squeeze %dma_start3A_346 : memref<1x64xf32, #tpu.memory_space<hbm>> -> memref<64xf32, #tpu.memory_space<hbm>>
      tpu.enqueue_dma source(%dma_start3A_347 : memref<64xf32, #tpu.memory_space<hbm>>) target(%dma_start3A_344 : memref<64xf32, #tpu.memory_space<vmem>>) target_semaphore(%arg7 : memref<!tpu.dma_semaphore, #tpu.memory_space<semaphore_mem>>)
      %eq3A_348 = arith.constant 13 : i32
      %eq3A_349 = vector.broadcast %eq3A_348 : i32 to vector<16xi32>
      %eq3A_350 = arith.cmpi eq, %iota3A, %eq3A_349 : vector<16xi32>
      %jit3A_351 = arith.constant 0 : i32
      %broadcast_in_dim3A_352 = vector.broadcast %jit3A_351 : i32 to vector<16xi32>
      %select_n3A_353 = arith.select %eq3A_350, %get3A_15, %broadcast_in_dim3A_352 : vector<16xi1>, vector<16xi32>
      %reduce_sum3A_354 = arith.constant true
      %reduce_sum3A_355 = vector.broadcast %reduce_sum3A_354 : i1 to vector<16xi1>
      %reduce_sum3A_356 = tpu.scan <sum>, %select_n3A_353 masked %reduce_sum3A_355 : vector<16xi32>, vector<16xi1> -> vector<16xi32>
      %reduce_sum3A_357 = vector.extract %reduce_sum3A_356[15] : i32 from vector<16xi32>
      %mul3A_358 = arith.constant 16 : i32
      %mul3A_359 = arith.muli %scan3A_12, %mul3A_358 : i32
      %add3A_360 = arith.constant 13 : i32
      %add3A_361 = arith.addi %mul3A_359, %add3A_360 : i32
      %dma_start3A_362 = arith.constant 0 : i32
      %dma_start3A_363 = tpu.memref_slice %arg6[%add3A_361, %dma_start3A_362] : memref<512x64xf32, #tpu.memory_space<vmem>> -> memref<1x64xf32, #tpu.memory_space<vmem>>
      %dma_start3A_364 = tpu.memref_squeeze %dma_start3A_363 : memref<1x64xf32, #tpu.memory_space<vmem>> -> memref<64xf32, #tpu.memory_space<vmem>>
      %dma_start3A_365 = arith.constant 0 : i32
      %dma_start3A_366 = tpu.memref_slice %arg3[%reduce_sum3A_357, %dma_start3A_365] : memref<1000000x64xf32, #tpu.memory_space<hbm>> -> memref<1x64xf32, #tpu.memory_space<hbm>>
      %dma_start3A_367 = tpu.memref_squeeze %dma_start3A_366 : memref<1x64xf32, #tpu.memory_space<hbm>> -> memref<64xf32, #tpu.memory_space<hbm>>
      %dma_start3A_368 = arith.constant 0 : i32
      %dma_start3A_369 = tpu.memref_slice %arg6[%add3A_361, %dma_start3A_368] : memref<512x64xf32, #tpu.memory_space<vmem>> -> memref<1x64xf32, #tpu.memory_space<vmem>>
      %dma_start3A_370 = tpu.memref_squeeze %dma_start3A_369 : memref<1x64xf32, #tpu.memory_space<vmem>> -> memref<64xf32, #tpu.memory_space<vmem>>
      %dma_start3A_371 = arith.constant 0 : i32
      %dma_start3A_372 = tpu.memref_slice %arg3[%reduce_sum3A_357, %dma_start3A_371] : memref<1000000x64xf32, #tpu.memory_space<hbm>> -> memref<1x64xf32, #tpu.memory_space<hbm>>
      %dma_start3A_373 = tpu.memref_squeeze %dma_start3A_372 : memref<1x64xf32, #tpu.memory_space<hbm>> -> memref<64xf32, #tpu.memory_space<hbm>>
      tpu.enqueue_dma source(%dma_start3A_373 : memref<64xf32, #tpu.memory_space<hbm>>) target(%dma_start3A_370 : memref<64xf32, #tpu.memory_space<vmem>>) target_semaphore(%arg8 : memref<!tpu.dma_semaphore, #tpu.memory_space<semaphore_mem>>)
      %eq3A_374 = arith.constant 14 : i32
      %eq3A_375 = vector.broadcast %eq3A_374 : i32 to vector<16xi32>
      %eq3A_376 = arith.cmpi eq, %iota3A, %eq3A_375 : vector<16xi32>
      %jit3A_377 = arith.constant 0 : i32
      %broadcast_in_dim3A_378 = vector.broadcast %jit3A_377 : i32 to vector<16xi32>
      %select_n3A_379 = arith.select %eq3A_376, %get3A_15, %broadcast_in_dim3A_378 : vector<16xi1>, vector<16xi32>
      %reduce_sum3A_380 = arith.constant true
      %reduce_sum3A_381 = vector.broadcast %reduce_sum3A_380 : i1 to vector<16xi1>
      %reduce_sum3A_382 = tpu.scan <sum>, %select_n3A_379 masked %reduce_sum3A_381 : vector<16xi32>, vector<16xi1> -> vector<16xi32>
      %reduce_sum3A_383 = vector.extract %reduce_sum3A_382[15] : i32 from vector<16xi32>
      %mul3A_384 = arith.constant 16 : i32
      %mul3A_385 = arith.muli %scan3A_12, %mul3A_384 : i32
      %add3A_386 = arith.constant 14 : i32
      %add3A_387 = arith.addi %mul3A_385, %add3A_386 : i32
      %dma_start3A_388 = arith.constant 0 : i32
      %dma_start3A_389 = tpu.memref_slice %arg6[%add3A_387, %dma_start3A_388] : memref<512x64xf32, #tpu.memory_space<vmem>> -> memref<1x64xf32, #tpu.memory_space<vmem>>
      %dma_start3A_390 = tpu.memref_squeeze %dma_start3A_389 : memref<1x64xf32, #tpu.memory_space<vmem>> -> memref<64xf32, #tpu.memory_space<vmem>>
      %dma_start3A_391 = arith.constant 0 : i32
      %dma_start3A_392 = tpu.memref_slice %arg3[%reduce_sum3A_383, %dma_start3A_391] : memref<1000000x64xf32, #tpu.memory_space<hbm>> -> memref<1x64xf32, #tpu.memory_space<hbm>>
      %dma_start3A_393 = tpu.memref_squeeze %dma_start3A_392 : memref<1x64xf32, #tpu.memory_space<hbm>> -> memref<64xf32, #tpu.memory_space<hbm>>
      %dma_start3A_394 = arith.constant 0 : i32
      %dma_start3A_395 = tpu.memref_slice %arg6[%add3A_387, %dma_start3A_394] : memref<512x64xf32, #tpu.memory_space<vmem>> -> memref<1x64xf32, #tpu.memory_space<vmem>>
      %dma_start3A_396 = tpu.memref_squeeze %dma_start3A_395 : memref<1x64xf32, #tpu.memory_space<vmem>> -> memref<64xf32, #tpu.memory_space<vmem>>
      %dma_start3A_397 = arith.constant 0 : i32
      %dma_start3A_398 = tpu.memref_slice %arg3[%reduce_sum3A_383, %dma_start3A_397] : memref<1000000x64xf32, #tpu.memory_space<hbm>> -> memref<1x64xf32, #tpu.memory_space<hbm>>
      %dma_start3A_399 = tpu.memref_squeeze %dma_start3A_398 : memref<1x64xf32, #tpu.memory_space<hbm>> -> memref<64xf32, #tpu.memory_space<hbm>>
      tpu.enqueue_dma source(%dma_start3A_399 : memref<64xf32, #tpu.memory_space<hbm>>) target(%dma_start3A_396 : memref<64xf32, #tpu.memory_space<vmem>>) target_semaphore(%arg9 : memref<!tpu.dma_semaphore, #tpu.memory_space<semaphore_mem>>)
      %eq3A_400 = arith.constant 15 : i32
      %eq3A_401 = vector.broadcast %eq3A_400 : i32 to vector<16xi32>
      %eq3A_402 = arith.cmpi eq, %iota3A, %eq3A_401 : vector<16xi32>
      %jit3A_403 = arith.constant 0 : i32
      %broadcast_in_dim3A_404 = vector.broadcast %jit3A_403 : i32 to vector<16xi32>
      %select_n3A_405 = arith.select %eq3A_402, %get3A_15, %broadcast_in_dim3A_404 : vector<16xi1>, vector<16xi32>
      %reduce_sum3A_406 = arith.constant true
      %reduce_sum3A_407 = vector.broadcast %reduce_sum3A_406 : i1 to vector<16xi1>
      %reduce_sum3A_408 = tpu.scan <sum>, %select_n3A_405 masked %reduce_sum3A_407 : vector<16xi32>, vector<16xi1> -> vector<16xi32>
      %reduce_sum3A_409 = vector.extract %reduce_sum3A_408[15] : i32 from vector<16xi32>
      %mul3A_410 = arith.constant 16 : i32
      %mul3A_411 = arith.muli %scan3A_12, %mul3A_410 : i32
      %add3A_412 = arith.constant 15 : i32
      %add3A_413 = arith.addi %mul3A_411, %add3A_412 : i32
      %dma_start3A_414 = arith.constant 0 : i32
      %dma_start3A_415 = tpu.memref_slice %arg6[%add3A_413, %dma_start3A_414] : memref<512x64xf32, #tpu.memory_space<vmem>> -> memref<1x64xf32, #tpu.memory_space<vmem>>
      %dma_start3A_416 = tpu.memref_squeeze %dma_start3A_415 : memref<1x64xf32, #tpu.memory_space<vmem>> -> memref<64xf32, #tpu.memory_space<vmem>>
      %dma_start3A_417 = arith.constant 0 : i32
      %dma_start3A_418 = tpu.memref_slice %arg3[%reduce_sum3A_409, %dma_start3A_417] : memref<1000000x64xf32, #tpu.memory_space<hbm>> -> memref<1x64xf32, #tpu.memory_space<hbm>>
      %dma_start3A_419 = tpu.memref_squeeze %dma_start3A_418 : memref<1x64xf32, #tpu.memory_space<hbm>> -> memref<64xf32, #tpu.memory_space<hbm>>
      %dma_start3A_420 = arith.constant 0 : i32
      %dma_start3A_421 = tpu.memref_slice %arg6[%add3A_413, %dma_start3A_420] : memref<512x64xf32, #tpu.memory_space<vmem>> -> memref<1x64xf32, #tpu.memory_space<vmem>>
      %dma_start3A_422 = tpu.memref_squeeze %dma_start3A_421 : memref<1x64xf32, #tpu.memory_space<vmem>> -> memref<64xf32, #tpu.memory_space<vmem>>
      %dma_start3A_423 = arith.constant 0 : i32
      %dma_start3A_424 = tpu.memref_slice %arg3[%reduce_sum3A_409, %dma_start3A_423] : memref<1000000x64xf32, #tpu.memory_space<hbm>> -> memref<1x64xf32, #tpu.memory_space<hbm>>
      %dma_start3A_425 = tpu.memref_squeeze %dma_start3A_424 : memref<1x64xf32, #tpu.memory_space<hbm>> -> memref<64xf32, #tpu.memory_space<hbm>>
      tpu.enqueue_dma source(%dma_start3A_425 : memref<64xf32, #tpu.memory_space<hbm>>) target(%dma_start3A_422 : memref<64xf32, #tpu.memory_space<vmem>>) target_semaphore(%arg10 : memref<!tpu.dma_semaphore, #tpu.memory_space<semaphore_mem>>)
    }
    %scan3A_6 = arith.constant 32 : i32
    %scan3A_7 = arith.constant 0 : i32
    %scan3A_8 = arith.constant 128 : i32
    %scan3A_9 = arith.addi %scan3A_7, %scan3A_8 : i32
    %scan3A_10 = arith.constant 1 : i32
    scf.for %scan3A_12 = %scan3A_7 to %scan3A_9 step %scan3A_10  : i32 {
      %dma_wait3A = arith.constant 0 : i32
      %dma_wait3A_13 = arith.constant 0 : i32
      %dma_wait3A_14 = arith.constant 0 : i32
      %dma_wait3A_15 = tpu.memref_slice %arg6[%dma_wait3A_13, %dma_wait3A_14] : memref<512x64xf32, #tpu.memory_space<vmem>> -> memref<1x64xf32, #tpu.memory_space<vmem>>
      %dma_wait3A_16 = tpu.memref_squeeze %dma_wait3A_15 : memref<1x64xf32, #tpu.memory_space<vmem>> -> memref<64xf32, #tpu.memory_space<vmem>>
      %dma_wait3A_17 = arith.constant 0 : i32
      %dma_wait3A_18 = tpu.memref_slice %arg3[%dma_wait3A, %dma_wait3A_17] : memref<1000000x64xf32, #tpu.memory_space<hbm>> -> memref<1x64xf32, #tpu.memory_space<hbm>>
      %dma_wait3A_19 = tpu.memref_squeeze %dma_wait3A_18 : memref<1x64xf32, #tpu.memory_space<hbm>> -> memref<64xf32, #tpu.memory_space<hbm>>
      %dma_wait3A_20 = arith.constant 0 : i32
      %dma_wait3A_21 = tpu.memref_slice %arg6[%dma_wait3A_13, %dma_wait3A_20] : memref<512x64xf32, #tpu.memory_space<vmem>> -> memref<1x64xf32, #tpu.memory_space<vmem>>
      %dma_wait3A_22 = tpu.memref_squeeze %dma_wait3A_21 : memref<1x64xf32, #tpu.memory_space<vmem>> -> memref<64xf32, #tpu.memory_space<vmem>>
      %dma_wait3A_23 = arith.constant 0 : i32
      %dma_wait3A_24 = tpu.memref_slice %arg3[%dma_wait3A, %dma_wait3A_23] : memref<1000000x64xf32, #tpu.memory_space<hbm>> -> memref<1x64xf32, #tpu.memory_space<hbm>>
      %dma_wait3A_25 = tpu.memref_squeeze %dma_wait3A_24 : memref<1x64xf32, #tpu.memory_space<hbm>> -> memref<64xf32, #tpu.memory_space<hbm>>
      tpu.wait_dma2 semaphore(%arg7 : memref<!tpu.dma_semaphore, #tpu.memory_space<semaphore_mem>>) src(%dma_wait3A_25 : memref<64xf32, #tpu.memory_space<hbm>>) dst(%dma_wait3A_22 : memref<64xf32, #tpu.memory_space<vmem>>)
      %dma_wait3A_26 = arith.constant 0 : i32
      %dma_wait3A_27 = arith.constant 0 : i32
      %dma_wait3A_28 = arith.constant 0 : i32
      %dma_wait3A_29 = tpu.memref_slice %arg6[%dma_wait3A_27, %dma_wait3A_28] : memref<512x64xf32, #tpu.memory_space<vmem>> -> memref<1x64xf32, #tpu.memory_space<vmem>>
      %dma_wait3A_30 = tpu.memref_squeeze %dma_wait3A_29 : memref<1x64xf32, #tpu.memory_space<vmem>> -> memref<64xf32, #tpu.memory_space<vmem>>
      %dma_wait3A_31 = arith.constant 0 : i32
      %dma_wait3A_32 = tpu.memref_slice %arg3[%dma_wait3A_26, %dma_wait3A_31] : memref<1000000x64xf32, #tpu.memory_space<hbm>> -> memref<1x64xf32, #tpu.memory_space<hbm>>
      %dma_wait3A_33 = tpu.memref_squeeze %dma_wait3A_32 : memref<1x64xf32, #tpu.memory_space<hbm>> -> memref<64xf32, #tpu.memory_space<hbm>>
      %dma_wait3A_34 = arith.constant 0 : i32
      %dma_wait3A_35 = tpu.memref_slice %arg6[%dma_wait3A_27, %dma_wait3A_34] : memref<512x64xf32, #tpu.memory_space<vmem>> -> memref<1x64xf32, #tpu.memory_space<vmem>>
      %dma_wait3A_36 = tpu.memref_squeeze %dma_wait3A_35 : memref<1x64xf32, #tpu.memory_space<vmem>> -> memref<64xf32, #tpu.memory_space<vmem>>
      %dma_wait3A_37 = arith.constant 0 : i32
      %dma_wait3A_38 = tpu.memref_slice %arg3[%dma_wait3A_26, %dma_wait3A_37] : memref<1000000x64xf32, #tpu.memory_space<hbm>> -> memref<1x64xf32, #tpu.memory_space<hbm>>
      %dma_wait3A_39 = tpu.memref_squeeze %dma_wait3A_38 : memref<1x64xf32, #tpu.memory_space<hbm>> -> memref<64xf32, #tpu.memory_space<hbm>>
      tpu.wait_dma2 semaphore(%arg8 : memref<!tpu.dma_semaphore, #tpu.memory_space<semaphore_mem>>) src(%dma_wait3A_39 : memref<64xf32, #tpu.memory_space<hbm>>) dst(%dma_wait3A_36 : memref<64xf32, #tpu.memory_space<vmem>>)
      %dma_wait3A_40 = arith.constant 0 : i32
      %dma_wait3A_41 = arith.constant 0 : i32
      %dma_wait3A_42 = arith.constant 0 : i32
      %dma_wait3A_43 = tpu.memref_slice %arg6[%dma_wait3A_41, %dma_wait3A_42] : memref<512x64xf32, #tpu.memory_space<vmem>> -> memref<1x64xf32, #tpu.memory_space<vmem>>
      %dma_wait3A_44 = tpu.memref_squeeze %dma_wait3A_43 : memref<1x64xf32, #tpu.memory_space<vmem>> -> memref<64xf32, #tpu.memory_space<vmem>>
      %dma_wait3A_45 = arith.constant 0 : i32
      %dma_wait3A_46 = tpu.memref_slice %arg3[%dma_wait3A_40, %dma_wait3A_45] : memref<1000000x64xf32, #tpu.memory_space<hbm>> -> memref<1x64xf32, #tpu.memory_space<hbm>>
      %dma_wait3A_47 = tpu.memref_squeeze %dma_wait3A_46 : memref<1x64xf32, #tpu.memory_space<hbm>> -> memref<64xf32, #tpu.memory_space<hbm>>
      %dma_wait3A_48 = arith.constant 0 : i32
      %dma_wait3A_49 = tpu.memref_slice %arg6[%dma_wait3A_41, %dma_wait3A_48] : memref<512x64xf32, #tpu.memory_space<vmem>> -> memref<1x64xf32, #tpu.memory_space<vmem>>
      %dma_wait3A_50 = tpu.memref_squeeze %dma_wait3A_49 : memref<1x64xf32, #tpu.memory_space<vmem>> -> memref<64xf32, #tpu.memory_space<vmem>>
      %dma_wait3A_51 = arith.constant 0 : i32
      %dma_wait3A_52 = tpu.memref_slice %arg3[%dma_wait3A_40, %dma_wait3A_51] : memref<1000000x64xf32, #tpu.memory_space<hbm>> -> memref<1x64xf32, #tpu.memory_space<hbm>>
      %dma_wait3A_53 = tpu.memref_squeeze %dma_wait3A_52 : memref<1x64xf32, #tpu.memory_space<hbm>> -> memref<64xf32, #tpu.memory_space<hbm>>
      tpu.wait_dma2 semaphore(%arg9 : memref<!tpu.dma_semaphore, #tpu.memory_space<semaphore_mem>>) src(%dma_wait3A_53 : memref<64xf32, #tpu.memory_space<hbm>>) dst(%dma_wait3A_50 : memref<64xf32, #tpu.memory_space<vmem>>)
      %dma_wait3A_54 = arith.constant 0 : i32
      %dma_wait3A_55 = arith.constant 0 : i32
      %dma_wait3A_56 = arith.constant 0 : i32
      %dma_wait3A_57 = tpu.memref_slice %arg6[%dma_wait3A_55, %dma_wait3A_56] : memref<512x64xf32, #tpu.memory_space<vmem>> -> memref<1x64xf32, #tpu.memory_space<vmem>>
      %dma_wait3A_58 = tpu.memref_squeeze %dma_wait3A_57 : memref<1x64xf32, #tpu.memory_space<vmem>> -> memref<64xf32, #tpu.memory_space<vmem>>
      %dma_wait3A_59 = arith.constant 0 : i32
      %dma_wait3A_60 = tpu.memref_slice %arg3[%dma_wait3A_54, %dma_wait3A_59] : memref<1000000x64xf32, #tpu.memory_space<hbm>> -> memref<1x64xf32, #tpu.memory_space<hbm>>
      %dma_wait3A_61 = tpu.memref_squeeze %dma_wait3A_60 : memref<1x64xf32, #tpu.memory_space<hbm>> -> memref<64xf32, #tpu.memory_space<hbm>>
      %dma_wait3A_62 = arith.constant 0 : i32
      %dma_wait3A_63 = tpu.memref_slice %arg6[%dma_wait3A_55, %dma_wait3A_62] : memref<512x64xf32, #tpu.memory_space<vmem>> -> memref<1x64xf32, #tpu.memory_space<vmem>>
      %dma_wait3A_64 = tpu.memref_squeeze %dma_wait3A_63 : memref<1x64xf32, #tpu.memory_space<vmem>> -> memref<64xf32, #tpu.memory_space<vmem>>
      %dma_wait3A_65 = arith.constant 0 : i32
      %dma_wait3A_66 = tpu.memref_slice %arg3[%dma_wait3A_54, %dma_wait3A_65] : memref<1000000x64xf32, #tpu.memory_space<hbm>> -> memref<1x64xf32, #tpu.memory_space<hbm>>
      %dma_wait3A_67 = tpu.memref_squeeze %dma_wait3A_66 : memref<1x64xf32, #tpu.memory_space<hbm>> -> memref<64xf32, #tpu.memory_space<hbm>>
      tpu.wait_dma2 semaphore(%arg10 : memref<!tpu.dma_semaphore, #tpu.memory_space<semaphore_mem>>) src(%dma_wait3A_67 : memref<64xf32, #tpu.memory_space<hbm>>) dst(%dma_wait3A_64 : memref<64xf32, #tpu.memory_space<vmem>>)
    }
    %scan3A_11 = arith.constant 128 : i32
    "tpu.region"() ({
      %run_scoped3A = tpu.sem_alloc : memref<!tpu.dma_semaphore, #tpu.memory_space<semaphore_mem>>
      %dma_start3A = arith.constant 0 : i32
      %dma_start3A_12 = tpu.memref_slice %arg4[%mul3A_2, %dma_start3A] : memref<16384x64xf32, #tpu.memory_space<hbm>> -> memref<512x64xf32, #tpu.memory_space<hbm>>
      %dma_start3A_13 = arith.constant 0 : i32
      %dma_start3A_14 = tpu.memref_slice %arg4[%mul3A_2, %dma_start3A_13] : memref<16384x64xf32, #tpu.memory_space<hbm>> -> memref<512x64xf32, #tpu.memory_space<hbm>>
      tpu.enqueue_dma source(%arg6 : memref<512x64xf32, #tpu.memory_space<vmem>>) target(%dma_start3A_14 : memref<512x64xf32, #tpu.memory_space<hbm>>) target_semaphore(%run_scoped3A : memref<!tpu.dma_semaphore, #tpu.memory_space<semaphore_mem>>)
      %dma_wait3A = arith.constant 0 : i32
      %dma_wait3A_15 = tpu.memref_slice %arg4[%mul3A_2, %dma_wait3A] : memref<16384x64xf32, #tpu.memory_space<hbm>> -> memref<512x64xf32, #tpu.memory_space<hbm>>
      %dma_wait3A_16 = arith.constant 0 : i32
      %dma_wait3A_17 = tpu.memref_slice %arg4[%mul3A_2, %dma_wait3A_16] : memref<16384x64xf32, #tpu.memory_space<hbm>> -> memref<512x64xf32, #tpu.memory_space<hbm>>
      tpu.wait_dma2 semaphore(%run_scoped3A : memref<!tpu.dma_semaphore, #tpu.memory_space<semaphore_mem>>) src(%arg6 : memref<512x64xf32, #tpu.memory_space<vmem>>) dst(%dma_wait3A_17 : memref<512x64xf32, #tpu.memory_space<hbm>>)
      tpu.yield
    }) : () -> ()
    return
  }
}

</mosaic_0001>

<sc_bundles>
// kernel: kernel.3.cloned.1.call-start
scs
__scs_entry_jumppad:
0x0: {  	(pc) =	sbr.rel $0x88, $3  }
0x1: {  	(tag) =	ssettag $0x0;
	lr =	simm.s32 $0x1  }
0x2: {  	[smem:$0x3F9F] =	sst lr;
	_ =	strace $0xD0000000  }
0x3: {  	_ = 	snop  }
0x4: {  	_ = 	snop  }
0x5: {  	_ = 	snop  }
0x6: {  	_ = 	snop  }
0x7: {  	_ = 	snop  }
__scs_overlays_trampoline_lowered:
0x8: {  	[smem:$0x3FAE] =	sst s0  }
0x9: {  	[smem:$0x3FAF] =	sst s1  }
0xa: {  	[smem:$0x3FB0] =	sst s2  }
0xb: {  	[smem:$0x3FB1] =	sst s3  }
0xc: {  	[smem:$0x3FB2] =	sst s4  }
0xd: {  	[smem:$0x3FB3] =	sst s5  }
0xe: {  	[smem:$0x3FB4] =	sst s6  }
0xf: {  	[smem:$0x3FB5] =	sst s7  }
0x10: {  	[smem:$0x3FB6] =	sst s8  }
0x11: {  	[smem:$0x3FB7] =	sst s9;
	s0 =	simm.s32 @!p0 $0x0  }
0x12: {  	s1 =	sld [smem:$0x3F9D];
	s0 =	simm.s32 @p0 $0x1  }
0x13: {  	[smem:$0x3FB8] =	sst s0;
	s0 =	simm.s32 @!p1 $0x0  }
0x14: {  	s2 =	sld [smem:$0x3F9C];
	s0 =	simm.s32 @p1 $0x1  }
0x15: {  	[smem:$0x3FB9] =	sst s0;
	s0 =	simm.s32 @!p2 $0x0  }
0x16: {  	s3 =	sld [smem:$0x3FDB];
	s0 =	simm.s32 @p2 $0x1  }
0x17: {  	s4 =	simm.s32 $0x1BF5;
	[smem:$0x3FBB] =	sst s0  }
0x18: {  	s0 =	sld [smem:$0x3F9E];
	_ =	swait.ge [sflag:s4], $0x0  }
0x19: {  	s7 =	sld [smem:$0x3F9F]  }
0x1a: {  	s8 =	sadd.s32 $0xFFFFE003, lr  }
0x1b: {  	s9 =	sadd.s32 $0xFFFFFEF7, lr;
	s5 =	simm.s32 $0xFFFFFFFF;
	p2 =	slt.u32 s8, $0xFFFFF086  }
0x1c: {  	p1 =	slt.u32 s9, $0xF7A;
	s5 =	simm.s32 @!p2 $0x0  }
0x1d: {  	s5 =	simm.s32 @p1 $0x1;
	p0 =	seq.s32 s7, s2  }
0x1e: {  	s7 =	smul.u32 @!p0 $0xF7A, s2;
	p2 =	seq.s32 @!p0 s5, $0x0  }
0x1f: {  	s9 =	smul.u32 $0xF7A, s1;
	s8 =	simm.s32 @!p0 $0x1BF5;
	p2 =	por !p2, p0  }
0x20: {  	[sflag:s8] =	ssyncset.s32 @!p0 $0xFFFFF086;
	s6 =	sadd.s32 @!p0 s3, s7;
	s7 =	simm.s32 @!p0 $0x108  }
0x21: {  	s3 =	sadd.s32 s3, s9;
	s6 =	sadd.s32 @!p0 $0x88, s6;
	s7 =	simm.s32 @p2 $0x1082  }
0x22: {  	[simem:s7], [sflag:s8] =	dma.local @!p0 [hbm:s6], $0xF7A  }
0x23: {  	s9 =	sor.u32 $0xD0000000, s2;
	s6 =	simm.s32 $0x108;
	_ =	swait.ge @!p0 [sflag:s8], $0x0  }
0x24: {  	s3 =	sadd.s32 $0x88, s3;
	s6 =	simm.s32 @!p1 $0x1082;
	[sflag:s4] =	ssyncset.s32 $0xFFFFF086  }
0x25: {  	[simem:s6], [sflag:s4] =	dma.local [hbm:s3], $0xF7A  }
0x26: {  	[smem:$0x3F9F] =	sst s1;
	(tag) =	ssettag s2;
	_ =	strace s9  }
0x27: {  	s1 =	sld [smem:$0x3FAF]  }
0x28: {  	s2 =	sld [smem:$0x3FB0]  }
0x29: {  	s4 =	sld [smem:$0x3FB2]  }
0x2a: {  	p0 =	seq.s32 s5, $0x0;
	s5 =	sld [smem:$0x3FB3]  }
0x2b: {  	s6 =	sld [smem:$0x3FB4]  }
0x2c: {  	s7 =	sld [smem:$0x3FB5]  }
0x2d: {  	s3 =	simm.s32 $0x108;
	s8 =	sld [smem:$0x3FB6]  }
0x2e: {  	s3 =	simm.s32 @!p0 $0x1082;
	s9 =	sld [smem:$0x3FB7]  }
0x2f: {  	lr =	sadd.s32 s0, s3;
	s0 =	sld [smem:$0x3FAE]  }
0x30: {  	s3 =	sld [smem:$0x3FB1]  }
0x31: {  	[smem:$0x3FBA] =	sst s10  }
0x32: {  	s10 =	sld [smem:$0x3FB8];
	_ =	sdelay $0x3  }
0x33: {  	p0 =	seq.s32 s10, $0x1;
	s10 =	sld [smem:$0x3FBA];
	_ =	sdelay $0x3  }
0x34: {  	[smem:$0x3FBA] =	sst s10  }
0x35: {  	s10 =	sld [smem:$0x3FB9];
	_ =	sdelay $0x3  }
0x36: {  	p1 =	seq.s32 s10, $0x1;
	s10 =	sld [smem:$0x3FBA];
	_ =	sdelay $0x3  }
0x37: {  	[smem:$0x3FBA] =	sst s10  }
0x38: {  	s10 =	sld [smem:$0x3FBB]  }
0x39: {  	_ = 	snop;
	(pc) =	sbr.ind lr, $3  }
0x3a: {  	_ = 	snop  }
0x3b: {  	_ = 	snop  }
0x3c: {  	p2 =	seq.s32 s10, $0x1;
	s10 =	sld [smem:$0x3FBA]  }
0x3d: {  	_ =	shalt  }
0x3e: {  	_ =	shalt  }
0x3f: {  	_ =	shalt  }
0x40: {  	_ =	shalt  }
0x41: {  	_ =	shalt  }
0x42: {  	_ =	shalt  }
0x43: {  	_ =	shalt  }
0x44: {  	_ =	shalt  }
0x45: {  	_ =	shalt  }
0x46: {  	_ =	shalt  }
0x47: {  	_ =	shalt  }
0x48: {  	_ =	shalt  }
0x49: {  	_ =	shalt  }
0x4a: {  	_ =	shalt  }
0x4b: {  	_ =	shalt  }
0x4c: {  	_ =	shalt  }
0x4d: {  	_ =	shalt  }
0x4e: {  	_ =	shalt  }
0x4f: {  	_ =	shalt  }
0x50: {  	_ =	shalt  }
0x51: {  	_ =	shalt  }
0x52: {  	_ =	shalt  }
0x53: {  	_ =	shalt  }
0x54: {  	_ =	shalt  }
0x55: {  	_ =	shalt  }
0x56: {  	_ =	shalt  }
0x57: {  	_ =	shalt  }
0x58: {  	_ =	shalt  }
0x59: {  	_ =	shalt  }
0x5a: {  	_ =	shalt  }
0x5b: {  	_ =	shalt  }
0x5c: {  	_ =	shalt  }
0x5d: {  	_ =	shalt  }
0x5e: {  	_ =	shalt  }
0x5f: {  	_ =	shalt  }
0x60: {  	_ =	shalt  }
0x61: {  	_ =	shalt  }
0x62: {  	_ =	shalt  }
0x63: {  	_ =	shalt  }
0x64: {  	_ =	shalt  }
0x65: {  	_ =	shalt  }
0x66: {  	_ =	shalt  }
0x67: {  	_ =	shalt  }
0x68: {  	_ =	shalt  }
0x69: {  	_ =	shalt  }
0x6a: {  	_ =	shalt  }
0x6b: {  	_ =	shalt  }
0x6c: {  	_ =	shalt  }
0x6d: {  	_ =	shalt  }
0x6e: {  	_ =	shalt  }
0x6f: {  	_ =	shalt  }
0x70: {  	_ =	shalt  }
0x71: {  	_ =	shalt  }
0x72: {  	_ =	shalt  }
0x73: {  	_ =	shalt  }
0x74: {  	_ =	shalt  }
0x75: {  	_ =	shalt  }
0x76: {  	_ =	shalt  }
0x77: {  	_ =	shalt  }
0x78: {  	_ =	shalt  }
0x79: {  	_ =	shalt  }
0x7a: {  	_ =	shalt  }
0x7b: {  	_ =	shalt  }
0x7c: {  	_ =	shalt  }
0x7d: {  	_ =	shalt  }
0x7e: {  	_ =	shalt  }
0x7f: {  	_ =	shalt  }
0x80: {  	_ =	shalt  }
0x81: {  	_ =	shalt  }
0x82: {  	_ =	shalt  }
0x83: {  	_ =	shalt  }
0x84: {  	_ =	shalt  }
0x85: {  	_ =	shalt  }
0x86: {  	_ =	shalt  }
0x87: {  	_ =	shalt  }
.Lfunc_end0:
.L_simem_size_0:
called_computation_lowered:
.L_overlay_start_0:
0x88: {  	s2 =	sld [smem:$0x3FD9]  }
0x89: {  	s3 =	sld [smem:$0x3FFE];
	_ =	sdelay $0x1  }
0x8a: {  	s1 =	srdreg.scid  }
0x8b: {  	s0 =	sand.u32 $0x1, s1  }
0x8c: {  	s17 =	sshll.u32 s0, $0xA;
	s2 =	sadd.s32 s3, s2  }
0x8d: {  	s2 =	sadd.s32 s2, s17  }
0x8e: {  	[smem:$0x3FC6] =	sst s2  }
0x8f: {  	_ = 	snop  }
0x90: {  	s2 =	sld [smem:$0x3FC9];
	(tm) =	ssettm $0x1  }
0x91: {  	s18 =	sld [smem:$0x3FFB];
	_ =	sdelay $0x3  }
0x92: {  	_ =	strace s18  }
0x93: {  	s3 =	sld [smem:$0x3FFC];
	_ =	sdelay $0x3  }
0x94: {  	_ =	strace s3  }
0x95: {  	s3 =	sld [smem:$0x3FFD];
	_ =	sdelay $0x3  }
0x96: {  	_ =	strace s3  }
0x97: {  	_ =	strace $0x8FFFFFFF  }
0x98: {  	s19 =	sld [smem:$0x3FDB];
	_ =	sdelay $0x1  }
0x99: {  	s4 =	simm.s32 $_scs_section_size  }
0x9a: {  	s5 =	simm.s32 $_size__tile_overlayer_lowered;
	s6 =	simm.s32 $_tile_overlayer_lowered  }
0x9b: {  	s22 =	simm.s32 $0x1BFF;
	s21 =	sshll.u32 s6, $0x1;
	s3 =	sadd.s32 s4, s19  }
0x9c: {  	s7 =	simm.s32 $0x0;
	s20 =	sshll.u32 s5, $0x1;
	s5 =	sadd.s32 s21, s3  }
0x9d: {  	[timem:s7], [sflag:s22] =	dma.local [hbm:s5], s20  }
0x9e: {  	_ =	swait.ge [sflag:s22], s20  }
0x9f: {  	s4 =	ssub.s32 $0x0, s20;
	[sflag:s22] =	ssyncset.done $0x0  }
0xa0: {  	[sflag:s22] =	ssyncadd.s32 s4;
	_ =	sdelay $0x1  }
0xa1: {  	s23 =	simm.s32 $0x1B8B  }
0xa2: {  	_ =	swait.ge [sflag:s23], $0x1  }
0xa3: {  	[sflag:s23] =	ssyncset.done $0x0  }
0xa4: {  	s25 =	simm.s32 $0x1B8E;
	s24 =	sld [smem:$0x3FFE];
	[sflag:s23] =	ssyncadd.s32 $0xFFFFFFFF  }
0xa5: {  	s26 =	simm.s32 $execute0_lowered;
	[smem:$0x3FD2] =	sst s25  }
0xa6: {  	s5 =	sshll.u32 s26, $0x1;
	_ =	strace $0x80000046;
	[dreg:$0x1] =	wrdreg $0xFFFFFFFF  }
0xa7: {  	s28 =	simm.s32 $_size_execute0_lowered;
	s3 =	sadd.s32 s3, s5;
	[dreg:$0x0] =	wrdreg $0x0  }
0xa8: {  	s5 =	sshll.u32 s28, $0x1;
	[dreg:$0x2] =	wrdreg s3  }
0xa9: {  	[dreg:$0x3] =	wrdreg s5  }
0xaa: {  	[dreg:$0x4] =	wrdreg $0xC0  }
0xab: {  	_ =	task [dreg:s7], $0x5FFFF  }
0xac: {  	[dreg:$0x1] =	wrdreg $0xFFFFFFFF  }
0xad: {  	[dreg:$0x0] =	wrdreg $0x60  }
0xae: {  	[dreg:$0x2] =	wrdreg s2  }
0xaf: {  	[dreg:$0x3] =	wrdreg s24  }
0xb0: {  	[dreg:$0x4] =	wrdreg $0x9  }
0xb1: {  	_ =	task.clear_ibuf [dreg:s7], $0x5FFFF;
	_ =	strace $0x90000046  }
0xb2: {  	s29 =	simm.s32 $0x9;
	_ =	strace $0x80000048  }
0xb3: {  	_ =	swait.ge [sflag:s29], $0x1  }
0xb4: {  	[sflag:s29] =	ssyncadd.s32 $0xFFFFFFFF  }
0xb5: {  	_ =	strace $0x90000048  }
0xb6: {  	_ =	sfence  }
0xb7: {  	s30 =	sld [smem:$0x0];
	_ =	sdelay $0x2  }
0xb8: {  	s31 =	sshll.u32 s1, $0xD;
	s1 =	sshrl.u32 s1, $0x2  }
0xb9: {  	s3 =	sand.u32 $0x4000, s31;
	s1 =	sadd.s32 s1, s30  }
0xba: {  	s0 =	sor.u32 s3, s0;
	s1 =	sshll.u32 s1, $0x11  }
0xbb: {  	s0 =	sor.u32 s1, s0  }
0xbc: {  	s0 =	sadd.s32 $0x8F2B, s0  }
0xbd: {  	[sflag:s0] =	ssyncadd.remote.s32 $0x1  }
0xbe: {  	_ =	sfence.sel $0xFFFF  }
0xbf: {  	[dreg:$0x0] =	wrdreg $0xFFFFFFFF;
	(pc) =	sbr.abs _section_cstart, $3  }
0xc0: {  	[dreg:$0x1] =	wrdreg $0xFFFFFFFF  }
0xc1: {  	_ =	task.clear_ibuf [dreg:s7], $0x2FFFF;
	_ =	strace $0x9FFFFFFF  }
0xc2: {  	(tm) =	ssettm $0x7FFFFFFF  }
0xc3: {  	_ =	shalt  }
tec
execute0_lowered:
.L_overlay_start_1:
0x0: {  	(tag) =	ssettag $0x1  }
0x1: {  	s4 =	rddreg [dreg:$0x0]  }
0x2: {  	s5 =	rddreg [dreg:$0x1];
	s2 =	simm.s32 $0x0  }
0x3: {  	s3 =	srdreg.scid;
	s0 =	stileid.u32;
	s10 =	simm.s32 $0x3  }
0x4: {  	s11 =	simm.s32 $0x4;
	s13 =	simm.s32 $0x0;
	s6 =	sand.u32 $0x1, s3  }
0x5: {  	[smem:$0x7FF] =	sst s2;
	s7 =	sshll.u32 s0, $0xA;
	s8 =	sshll.u32 s6, $0x9  }
0x6: {  	vm0 =	vmmov $0x1;
	s3 =	sadd.s32 $0x400, s5;
	s6 =	ssub.s32 $0x2, s6;
	s7 =	sor.u32 s8, s7  }
0x7: {  	vm1 =	vcmask $0x308;
	vm2 =	vcmask $0x70C;
	vm3 =	vcmask $0xB10;
	s9 =	sshrl.u32 s6, $0x1;
	s8 =	sshll.u32 s7, $0x4;
	s7 =	sshrl.u32 s7, $0x3  }
0x8: {  	vm4 =	vcmask $0xF14;
	vm5 =	vcmask $0x1318;
	vm6 =	vcmask $0x171C;
	_ =	strace $0x80000047;
	s6 =	ssub.s32 s6, s9;
	s29 =	sadd.s32 s4, s7  }
0x9: {  	vm7 =	vcmask $0x1B20;
	vm8 =	vcmask $0x1F24;
	vm9 =	vcmask $0x2328;
	s5 =	sadd.s32 s8, s5;
	s31 =	smax.u32 s6, $0x1;
	[dreg:$0x3] =	wrdreg s29  }
0xa: {  	vm10 =	vcmask $0x272C;
	vm11 =	vcmask $0x2B30;
	vm12 =	vcmask $0x2F34;
	s9 =	simm.s32 $0x2;
	s30 =	sadd.s32 $0xF42800, s5;
	[dreg:$0x5] =	wrdreg s31  }
0xb: {  	vm13 =	vcmask $0x3338;
	vm14 =	vcmask $0x373C;
	vm15 =	vmmov $0x7fff;
	s7 =	simm.s32 $0x5;
	s8 =	simm.s32 $0x1;
	[dreg:$0x4] =	wrdreg s30  }
.LBB2_1:
0xc: {  	s0 =	rddreg [dreg:$0x3]  }
0xd: {  	[tilespmem:s2], [sflag:$0x5] =	stream.linear.gather [hbm4b:s0+s2], $0x200, $0x38;
	[tilespmem:$0x10200] =	vst v63  }
0xe: {  	_ =	swait.ge [sflag:s7], $0x200  }
0xf: {  	[sflag:s7] =	ssyncset.done $0x0  }
0x10: {  	[sflag:s7] =	ssyncadd.s32 $0xFFFFFE00  }
0x11: {  	v0 =	vld [tilespmem:s2+$0x0];
	_ =	sdelay $0x4  }
0x12: {  	v1 =	vnsel vm0, $0x0, v0  }
0x13: {  	v2 =	vsel vm2, $0x0, v0;
	(xrf0) =	vadd.scan.msk.s32 $0xffff, v1  }
0x14: {  	v40 =	vsel vm3, $0x0, v0;
	(xrf0) =	vadd.scan.msk.s32 $0xffff, v2  }
0x15: {  	v41 =	vsel vm1, $0x0, v0;
	(xrf0) =	vadd.scan.msk.s32 $0xffff, v40  }
0x16: {  	(xrf0) =	vadd.scan.msk.s32 $0xffff, v41;
	_ =	sdelay $0x2  }
0x17: {  	v42, _, _ =	vpop (xrf0)  }
0x18: {  	v43 =	vsel vm8, $0x0, v0;
	(v2sf) =	vpush v42, $0xF;
	v44, _, _ =	vpop (xrf0)  }
0x19: {  	v3 =	vsel vm9, $0x0, v0;
	(xrf0) =	vadd.scan.msk.s32 $0xffff, v43;
	(v2sf) =	vpush v44, $0xF;
	v45, _, _ =	vpop (xrf0)  }
0x1a: {  	v46 =	vsel vm5, $0x0, v0;
	(xrf0) =	vadd.scan.msk.s32 $0xffff, v3;
	v47, _, _ =	vpop (xrf0);
	(v2sf) =	vpush v45, $0xF  }
0x1b: {  	v48 =	vsel vm4, $0x0, v0;
	(xrf0) =	vadd.scan.msk.s32 $0xffff, v46;
	(v2sf) =	vpush v47, $0xF  }
0x1c: {  	(xrf0) =	vadd.scan.msk.s32 $0xffff, v48;
	_ =	sdelay $0x1  }
0x1d: {  	v49 =	vsel vm10, $0x0, v0  }
0x1e: {  	v50 =	vsel vm11, $0x0, v0;
	(xrf0) =	vadd.scan.msk.s32 $0xffff, v49;
	v51, _, _ =	vpop (xrf0)  }
0x1f: {  	v52 =	vsel vm12, $0x0, v0;
	(xrf0) =	vadd.scan.msk.s32 $0xffff, v50;
	v53, _, _ =	vpop (xrf0)  }
0x20: {  	v4 =	vsel vm13, $0x0, v0;
	(xrf0) =	vadd.scan.msk.s32 $0xffff, v52;
	(v2sf) =	vpush v51, $0xF;
	v54, _, _ =	vpop (xrf0)  }
0x21: {  	v55 =	vsel vm14, $0x0, v0;
	(xrf0) =	vadd.scan.msk.s32 $0xffff, v4;
	v56, _, _ =	vpop (xrf0)  }
0x22: {  	v5 =	vsel vm6, $0x0, v0;
	(xrf0) =	vadd.scan.msk.s32 $0xffff, v55;
	(v2sf) =	vpush v56, $0xF  }
0x23: {  	v57 =	vsel vm7, $0x0, v0;
	(xrf0) =	vadd.scan.msk.s32 $0xffff, v5  }
0x24: {  	s14 =	simm.s32 $0x2000;
	s15 =	simm.s32 $0x0;
	s23 =	simm.s32 $0x300;
	(xrf0) =	vadd.scan.msk.s32 $0xffff, v57;
	v58, _, _ =	vpop (xrf0);
	(v2sf) =	vpush v54, $0xF  }
0x25: {  	s24 =	simm.s32 $0x400;
	s19 =	simm.s32 $0x580;
	s16 =	simm.s32 $0x200;
	v59, _, _ =	vpop (xrf0)  }
0x26: {  	s25 =	simm.s32 $0x280;
	s20 =	simm.s32 $0x500;
	(v2sf) =	vpush v58, $0xF;
	v60, _, _ =	vpop (xrf0);
	s17 =	spop (v2sf)  }
0x27: {  	s26 =	simm.s32 $0x480;
	v61, _, _ =	vpop (xrf0);
	s17 =	sshll.u32 s17, $0x4;
	s28 =	spop (v2sf)  }
0x28: {  	s18 =	simm.s32 $0x800;
	v62, _, _ =	vpop (xrf0);
	(v2sf) =	vpush v53, $0xF;
	s21 =	sand.u32 $0x1FFFFFF0, s17;
	s29 =	spop (v2sf)  }
0x29: {  	s22 =	simm.s32 $0x700;
	v63, _, _ =	vpop (xrf0);
	s21 =	sadd.s32 s3, s21;
	s30 =	spop (v2sf)  }
0x2a: {  	v6, _, _ =	vpop (xrf0);
	(v2sf) =	vpush v63, $0xF;
	[tilespmem:s16], [sflag:$0x1] =	stream.linear.gather [hbm4b:s21+s2], $0x80, $0x38;
	[tilespmem:$0x10200] =	vst v63  }
0x2b: {  	s4 =	simm.s32 $0x380;
	(v2sf) =	vpush v6, $0xF;
	s28 =	sshll.u32 s28, $0x4;
	s30 =	sshll.u32 s30, $0x4  }
0x2c: {  	s17 =	simm.s32 $0x880;
	s28 =	sand.u32 $0x1FFFFFF0, s28;
	s30 =	sand.u32 $0x1FFFFFF0, s30  }
0x2d: {  	s29 =	sshll.u32 s29, $0x4;
	(v2sf) =	vpush v59, $0xF;
	s16 =	simm.s32 $0x10;
	s30 =	sadd.s32 s3, s30  }
0x2e: {  	[tilespmem:s25], [sflag:$0x2] =	stream.linear.gather [hbm4b:s30+s2], $0x80, $0x38;
	[tilespmem:$0x10200] =	vst v63  }
0x2f: {  	s29 =	sand.u32 $0x1FFFFFF0, s29;
	s28 =	sadd.s32 s3, s28;
	s1 =	spop (v2sf)  }
0x30: {  	v0 =	vsel vm15, $0x0, v0;
	[tilespmem:s23], [sflag:$0x3] =	stream.linear.gather [hbm4b:s28+s2], $0x80, $0x38;
	[tilespmem:$0x10200] =	vst v63  }
0x31: {  	(xrf0) =	vadd.scan.msk.s32 $0xffff, v0;
	s21 =	simm.s32 $0x780;
	(v2sf) =	vpush v60, $0xF;
	s29 =	sadd.s32 s3, s29;
	s28 =	spop (v2sf)  }
0x32: {  	[tilespmem:s4], [sflag:$0x4] =	stream.linear.gather [hbm4b:s29+s2], $0x80, $0x38;
	[tilespmem:$0x10200] =	vst v63  }
0x33: {  	(v2sf) =	vpush v61, $0xF;
	s25 =	sshll.u32 s1, $0x4;
	s28 =	sshll.u32 s28, $0x4;
	s29 =	spop (v2sf)  }
0x34: {  	s23 =	simm.s32 $0x680;
	s28 =	sand.u32 $0x1FFFFFF0, s28;
	s29 =	sshll.u32 s29, $0x4  }
0x35: {  	s30 =	spop (v2sf);
	s29 =	sand.u32 $0x1FFFFFF0, s29;
	s28 =	sadd.s32 s3, s28  }
0x36: {  	[tilespmem:s24], [sflag:$0x1] =	stream.linear.gather [hbm4b:s28+s2], $0x80, $0x38;
	[tilespmem:$0x10200] =	vst v63  }
0x37: {  	s6 =	sshll.u32 s30, $0x4;
	s29 =	sadd.s32 s3, s29;
	s5 =	spop (v2sf);
	(v2sf) =	vpush v62, $0xF  }
0x38: {  	v0, _, _ =	vpop (xrf0);
	[tilespmem:s26], [sflag:$0x2] =	stream.linear.gather [hbm4b:s29+s2], $0x80, $0x38;
	[tilespmem:$0x10200] =	vst v63  }
0x39: {  	s28 =	simm.s32 $0x600;
	s30 =	sand.u32 $0x1FFFFFF0, s6;
	s12 =	spop (v2sf);
	(v2sf) =	vpush v0, $0xF  }
0x3a: {  	s29 =	sand.u32 $0x1FFFFFF0, s25;
	s26 =	sshll.u32 s12, $0x4;
	s31 =	spop (v2sf)  }
0x3b: {  	s25 =	sshll.u32 s5, $0x4;
	s24 =	sand.u32 $0x1FFFFFF0, s26;
	s31 =	sshll.u32 s31, $0x4  }
.LBB2_2:
0x3c: {  	s24 =	sadd.s32 s3, s24;
	s26 =	sand.u32 $0x1FFFFFF0, s31;
	s31 =	spop (v2sf)  }
0x3d: {  	[tilespmem:s20], [sflag:$0x3] =	stream.linear.gather [hbm4b:s24+s2], $0x80, $0x38;
	[tilespmem:$0x10200] =	vst v63  }
0x3e: {  	s20 =	sadd.s32 s3, s26;
	s24 =	sand.u32 $0x1FFFFFF0, s25;
	s25 =	sshll.u32 s31, $0x4  }
0x3f: {  	[tilespmem:s19], [sflag:$0x4] =	stream.linear.gather [hbm4b:s20+s2], $0x80, $0x38;
	[tilespmem:$0x10200] =	vst v63  }
0x40: {  	s19 =	sadd.s32 s3, s29;
	s20 =	sand.u32 $0x1FFFFFF0, s25;
	s25 =	spop (v2sf)  }
0x41: {  	[tilespmem:s28], [sflag:$0x1] =	stream.linear.gather [hbm4b:s19+s2], $0x80, $0x38;
	[tilespmem:$0x10200] =	vst v63  }
0x42: {  	s19 =	sadd.s32 s3, s24;
	s24 =	sshll.u32 s25, $0x4;
	s25 =	spop (v2sf)  }
0x43: {  	[tilespmem:s23], [sflag:$0x2] =	stream.linear.gather [hbm4b:s19+s2], $0x80, $0x38;
	[tilespmem:$0x10200] =	vst v63  }
0x44: {  	s19 =	sadd.s32 s3, s30;
	s23 =	sand.u32 $0x1FFFFFF0, s24;
	s24 =	sshll.u32 s25, $0x4  }
0x45: {  	[tilespmem:s22], [sflag:$0x3] =	stream.linear.gather [hbm4b:s19+s2], $0x80, $0x38;
	[tilespmem:$0x10200] =	vst v63  }
0x46: {  	s19 =	sadd.s32 s3, s20;
	s20 =	sand.u32 $0x1FFFFFF0, s24;
	s22 =	spop (v2sf)  }
0x47: {  	[tilespmem:s21], [sflag:$0x4] =	stream.linear.gather [hbm4b:s19+s2], $0x80, $0x38;
	[tilespmem:$0x10200] =	vst v63  }
0x48: {  	s19 =	sadd.s32 s3, s23;
	s21 =	sshll.u32 s22, $0x4;
	s22 =	spop (v2sf)  }
0x49: {  	[tilespmem:s18], [sflag:$0x1] =	stream.linear.gather [hbm4b:s19+s2], $0x80, $0x38;
	[tilespmem:$0x10200] =	vst v63  }
0x4a: {  	s18 =	sadd.s32 s3, s20;
	s19 =	sand.u32 $0x1FFFFFF0, s21;
	s20 =	sshll.u32 s22, $0x4  }
0x4b: {  	[tilespmem:s17], [sflag:$0x2] =	stream.linear.gather [hbm4b:s18+s2], $0x80, $0x38;
	[tilespmem:$0x10200] =	vst v63  }
0x4c: {  	s17 =	sadd.s32 $0x900, s15;
	s18 =	sadd.s32 s3, s19;
	s19 =	sand.u32 $0x1FFFFFF0, s20  }
0x4d: {  	[tilespmem:s17], [sflag:$0x3] =	stream.linear.gather [hbm4b:s18+s2], $0x80, $0x38;
	[tilespmem:$0x10200] =	vst v63  }
0x4e: {  	p0 =	sne.s32 s14, $0x3E000;
	s15 =	sadd.s32 $0x980, s15;
	s17 =	sadd.s32 s3, s19  }
0x4f: {  	[tilespmem:s15], [sflag:$0x4] =	stream.linear.gather [hbm4b:s17+s2], $0x80, $0x38;
	[tilespmem:$0x10200] =	vst v63  }
0x50: {  	s15 =	smov.u32 s14;
	s14 =	sadd.s32 $0x2000, s14;
	v0 =	vld [tilespmem:s16+$0x0];
	_ =	sdelay $0x4  }
0x51: {  	v1 =	vnsel vm0, $0x0, v0;
	v2 =	vsel vm3, $0x0, v0;
	v3 =	vsel vm14, $0x0, v0  }
0x52: {  	v4 =	vsel vm2, $0x0, v0;
	v5 =	vsel vm15, $0x0, v0;
	(xrf0) =	vadd.scan.msk.s32 $0xffff, v1  }
0x53: {  	v6 =	vsel vm6, $0x0, v0;
	v1 =	vsel vm1, $0x0, v0;
	(xrf0) =	vadd.scan.msk.s32 $0xffff, v4  }
0x54: {  	v4 =	vsel vm7, $0x0, v0;
	(xrf0) =	vadd.scan.msk.s32 $0xffff, v2  }
0x55: {  	v2 =	vsel vm8, $0x0, v0;
	(xrf0) =	vadd.scan.msk.s32 $0xffff, v1  }
0x56: {  	v1 =	vsel vm9, $0x0, v0;
	(xrf0) =	vadd.scan.msk.s32 $0xffff, v2  }
0x57: {  	v2 =	vsel vm5, $0x0, v0;
	(xrf0) =	vadd.scan.msk.s32 $0xffff, v1  }
0x58: {  	v1 =	vsel vm4, $0x0, v0;
	v7, _, _ =	vpop (xrf0);
	(xrf0) =	vadd.scan.msk.s32 $0xffff, v2  }
0x59: {  	v2 =	vsel vm10, $0x0, v0;
	(v2sf) =	vpush v7, $0xF;
	v7, _, _ =	vpop (xrf0);
	(xrf0) =	vadd.scan.msk.s32 $0xffff, v1  }
0x5a: {  	v9 =	vsel vm11, $0x0, v0;
	(v2sf) =	vpush v7, $0xF;
	v7, _, _ =	vpop (xrf0);
	(xrf0) =	vadd.scan.msk.s32 $0xffff, v2  }
0x5b: {  	s15 =	sshra.s32 s15, $0x2;
	v2 =	vsel vm12, $0x0, v0;
	v8, _, _ =	vpop (xrf0);
	(v2sf) =	vpush v7, $0xF;
	(xrf0) =	vadd.scan.msk.s32 $0xffff, v9  }
0x5c: {  	s25 =	sadd.s32 $0x300, s15;
	v7 =	vsel vm13, $0x0, v0;
	(v2sf) =	vpush v8, $0xF;
	v1, _, _ =	vpop (xrf0);
	(xrf0) =	vadd.scan.msk.s32 $0xffff, v2  }
0x5d: {  	s24 =	sadd.s32 $0x400, s15;
	s19 =	sadd.s32 $0x580, s15;
	(v2sf) =	vpush v1, $0xF;
	v1, _, _ =	vpop (xrf0);
	(xrf0) =	vadd.scan.msk.s32 $0xffff, v7  }
0x5e: {  	s28 =	sadd.s32 $0x200, s15;
	s30 =	sadd.s32 $0x280, s15;
	v0, _, _ =	vpop (xrf0);
	(xrf0) =	vadd.scan.msk.s32 $0xffff, v3  }
0x5f: {  	s20 =	sadd.s32 $0x500, s15;
	v2, _, _ =	vpop (xrf0);
	(xrf0) =	vadd.scan.msk.s32 $0xffff, v6  }
0x60: {  	s26 =	sadd.s32 $0x480, s15;
	(v2sf) =	vpush v2, $0xF;
	(xrf0) =	vadd.scan.msk.s32 $0xffff, v4;
	v2, _, _ =	vpop (xrf0)  }
0x61: {  	(v2sf) =	vpush v0, $0xF;
	v0, _, _ =	vpop (xrf0);
	(xrf0) =	vadd.scan.msk.s32 $0xffff, v5  }
0x62: {  	(v2sf) =	vpush v2, $0xF;
	v2, _, _ =	vpop (xrf0)  }
0x63: {  	v3, _, _ =	vpop (xrf0)  }
0x64: {  	v4, _, _ =	vpop (xrf0)  }
0x65: {  	v5, _, _ =	vpop (xrf0);
	(v2sf) =	vpush v1, $0xF  }
0x66: {  	v1, _, _ =	vpop (xrf0)  }
0x67: {  	s16 =	sadd.s32 $0x10, s16;
	s18 =	sadd.s32 $0x800, s15;
	s17 =	sadd.s32 $0x880, s15;
	(v2sf) =	vpush v5, $0xF;
	v5, _, _ =	vpop (xrf0)  }
0x68: {  	s22 =	sadd.s32 $0x700, s15;
	s21 =	sadd.s32 $0x780, s15;
	s23 =	spop (v2sf)  }
0x69: {  	s29 =	sshll.u32 s23, $0x4;
	s23 =	sadd.s32 $0x680, s15;
	s31 =	spop (v2sf);
	(v2sf) =	vpush v1, $0xF  }
0x6a: {  	s29 =	sand.u32 $0x1FFFFFF0, s29;
	s31 =	sshll.u32 s31, $0x4;
	s0 =	spop (v2sf)  }
0x6b: {  	s29 =	sadd.s32 s3, s29;
	s31 =	sand.u32 $0x1FFFFFF0, s31;
	s1 =	spop (v2sf)  }
0x6c: {  	s0 =	sshll.u32 s0, $0x4;
	s1 =	sshll.u32 s1, $0x4;
	s12 =	spop (v2sf)  }
0x6d: {  	s0 =	sand.u32 $0x1FFFFFF0, s0;
	s1 =	sand.u32 $0x1FFFFFF0, s1;
	s12 =	sshll.u32 s12, $0x4;
	(v2sf) =	vpush v0, $0xF  }
0x6e: {  	[tilespmem:s28], [sflag:$0x1] =	stream.linear.gather [hbm4b:s29+s2], $0x80, $0x38;
	[tilespmem:$0x10200] =	vst v63  }
0x6f: {  	s28 =	sadd.s32 $0x600, s15;
	s29 =	sand.u32 $0x1FFFFFF0, s12;
	s12 =	spop (v2sf)  }
0x70: {  	s4 =	sadd.s32 $0x380, s15;
	s12 =	sshll.u32 s12, $0x4;
	s5 =	spop (v2sf)  }
0x71: {  	s12 =	sand.u32 $0x1FFFFFF0, s12;
	s5 =	sshll.u32 s5, $0x4;
	s6 =	spop (v2sf);
	(v2sf) =	vpush v2, $0xF  }
0x72: {  	s1 =	sadd.s32 s3, s1;
	s5 =	sand.u32 $0x1FFFFFF0, s5;
	s6 =	sshll.u32 s6, $0x4  }
0x73: {  	[tilespmem:s30], [sflag:$0x2] =	stream.linear.gather [hbm4b:s1+s2], $0x80, $0x38;
	(v2sf) =	vpush v3, $0xF;
	[tilespmem:$0x10200] =	vst v63  }
0x74: {  	s1 =	sadd.s32 s3, s31;
	s30 =	sand.u32 $0x1FFFFFF0, s6;
	s6 =	spop (v2sf)  }
0x75: {  	[tilespmem:s25], [sflag:$0x3] =	stream.linear.gather [hbm4b:s1+s2], $0x80, $0x38;
	[tilespmem:$0x10200] =	vst v63  }
0x76: {  	s0 =	sadd.s32 s3, s0;
	s25 =	sshll.u32 s6, $0x4;
	s1 =	spop (v2sf)  }
0x77: {  	[tilespmem:s4], [sflag:$0x4] =	stream.linear.gather [hbm4b:s0+s2], $0x80, $0x38;
	[tilespmem:$0x10200] =	vst v63  }
.Ltmp0:
0x78: {  	(v2sf) =	vpush v4, $0xF;
	(pc) =	sbr.rel @p0 .LBB2_2-.Ltmp0, $4  }
0x79: {  	s0 =	sadd.s32 s3, s12;
	s1 =	sshll.u32 s1, $0x4;
	s4 =	spop (v2sf)  }
0x7a: {  	[tilespmem:s24], [sflag:$0x1] =	stream.linear.gather [hbm4b:s0+s2], $0x80, $0x38;
	(v2sf) =	vpush v5, $0xF;
	[tilespmem:$0x10200] =	vst v63  }
0x7b: {  	s0 =	sadd.s32 s3, s5;
	s24 =	sand.u32 $0x1FFFFFF0, s1;
	s31 =	sshll.u32 s4, $0x4  }
0x7c: {  	[tilespmem:s26], [sflag:$0x2] =	stream.linear.gather [hbm4b:s0+s2], $0x80, $0x38;
	[tilespmem:$0x10200] =	vst v63  }
0x7d: {  	s0 =	sadd.s32 s3, s24;
	s1 =	sand.u32 $0x1FFFFFF0, s31;
	s4 =	spop (v2sf)  }
0x7e: {  	[tilespmem:s20], [sflag:$0x3] =	stream.linear.gather [hbm4b:s0+s2], $0x80, $0x38;
	[tilespmem:$0x10200] =	vst v63  }
0x7f: {  	s26 =	sand.u32 $0x1FFFFFF0, s25;
	s31 =	sadd.s32 s3, s29;
	s24 =	sadd.s32 s3, s1  }
0x80: {  	[tilespmem:s19], [sflag:$0x4] =	stream.linear.gather [hbm4b:s24+s2], $0x80, $0x38;
	[tilespmem:$0x10200] =	vst v63  }
0x81: {  	s16 =	sadd.s32 s3, s30;
	s4 =	sshll.u32 s4, $0x4;
	s5 =	spop (v2sf)  }
0x82: {  	[tilespmem:s28], [sflag:$0x1] =	stream.linear.gather [hbm4b:s31+s2], $0x80, $0x38;
	[tilespmem:$0x10200] =	vst v63  }
0x83: {  	s6 =	sadd.s32 s3, s26;
	s4 =	sand.u32 $0x1FFFFFF0, s4;
	s14 =	spop (v2sf)  }
0x84: {  	[tilespmem:s23], [sflag:$0x2] =	stream.linear.gather [hbm4b:s6+s2], $0x80, $0x38;
	[tilespmem:$0x10200] =	vst v63  }
0x85: {  	s19 =	sadd.s32 s3, s4;
	s12 =	sshll.u32 s5, $0x4;
	s5 =	sshll.u32 s14, $0x4  }
0x86: {  	[tilespmem:s22], [sflag:$0x3] =	stream.linear.gather [hbm4b:s16+s2], $0x80, $0x38;
	[tilespmem:$0x10200] =	vst v63  }
0x87: {  	s1 =	sand.u32 $0x1FFFFFF0, s12;
	s20 =	sand.u32 $0x1FFFFFF0, s5;
	s22 =	spop (v2sf)  }
0x88: {  	[tilespmem:s21], [sflag:$0x4] =	stream.linear.gather [hbm4b:s19+s2], $0x80, $0x38;
	[tilespmem:$0x10200] =	vst v63  }
0x89: {  	s23 =	sadd.s32 s3, s1;
	s24 =	sshll.u32 s22, $0x4;
	s25 =	spop (v2sf)  }
0x8a: {  	[tilespmem:s18], [sflag:$0x1] =	stream.linear.gather [hbm4b:s23+s2], $0x80, $0x38;
	[tilespmem:$0x10200] =	vst v63  }
0x8b: {  	s26 =	sadd.s32 s3, s20;
	s1 =	sand.u32 $0x1FFFFFF0, s24;
	s28 =	sshll.u32 s25, $0x4  }
0x8c: {  	[tilespmem:s17], [sflag:$0x2] =	stream.linear.gather [hbm4b:s26+s2], $0x80, $0x38;
	[tilespmem:$0x10200] =	vst v63  }
0x8d: {  	s29 =	sadd.s32 $0x900, s15;
	s1 =	sadd.s32 s3, s1;
	s4 =	sand.u32 $0x1FFFFFF0, s28  }
0x8e: {  	[tilespmem:s29], [sflag:$0x3] =	stream.linear.gather [hbm4b:s1+s2], $0x80, $0x38;
	[tilespmem:$0x10200] =	vst v63  }
0x8f: {  	s30 =	sadd.s32 $0x980, s15;
	s31 =	sadd.s32 s3, s4  }
0x90: {  	[tilespmem:s30], [sflag:$0x4] =	stream.linear.gather [hbm4b:s31+s2], $0x80, $0x38;
	[tilespmem:$0x10200] =	vst v63  }
0x91: {  	_ =	swait.ge [sflag:s8], $0x80  }
0x92: {  	[sflag:s8] =	ssyncset.done $0x0  }
0x93: {  	[sflag:s8] =	ssyncadd.s32 $0xFFFFFF80  }
0x94: {  	_ =	swait.ge [sflag:s9], $0x80  }
0x95: {  	[sflag:s9] =	ssyncset.done $0x0  }
0x96: {  	[sflag:s9] =	ssyncadd.s32 $0xFFFFFF80  }
0x97: {  	_ =	swait.ge [sflag:s10], $0x80  }
0x98: {  	[sflag:s10] =	ssyncset.done $0x0  }
0x99: {  	[sflag:s10] =	ssyncadd.s32 $0xFFFFFF80  }
0x9a: {  	_ =	swait.ge [sflag:s11], $0x80  }
0x9b: {  	s14 =	simm.s32 $0x7F;
	[sflag:s11] =	ssyncset.done $0x0  }
.LBB2_4:
0x9c: {  	p0 =	sne.s32 s14, $0x1;
	s14 =	sadd.s32 $0xFFFFFFFF, s14;
	[sflag:s11] =	ssyncadd.s32 $0xFFFFFF80  }
0x9d: {  	_ =	swait.ge [sflag:s8], $0x80  }
0x9e: {  	[sflag:s8] =	ssyncset.done $0x0  }
0x9f: {  	[sflag:s8] =	ssyncadd.s32 $0xFFFFFF80  }
0xa0: {  	_ =	swait.ge [sflag:s9], $0x80  }
0xa1: {  	[sflag:s9] =	ssyncset.done $0x0  }
0xa2: {  	[sflag:s9] =	ssyncadd.s32 $0xFFFFFF80  }
.Ltmp1:
0xa3: {  	_ =	swait.ge [sflag:s10], $0x80;
	(pc) =	sbr.rel @p0 .LBB2_4-.Ltmp1, $4  }
0xa4: {  	[sflag:s10] =	ssyncset.done $0x0  }
0xa5: {  	[sflag:s10] =	ssyncadd.s32 $0xFFFFFF80  }
0xa6: {  	_ =	swait.ge [sflag:s11], $0x80  }
0xa7: {  	[sflag:s11] =	ssyncset.done $0x0  }
0xa8: {  	[sflag:s11] =	ssyncadd.s32 $0xFFFFFF80;
	s0 =	rddreg [dreg:$0x4];
	s1 =	simm.s32 $0x200  }
0xa9: {  	[hbm4b:s0+s2] =	stream.linear.scatter [tilespmem:s1], [sflag:$0x5], $0x10000, $0x38;
	[tilespmem:$0x10200] =	vst v63  }
0xaa: {  	_ =	swait.ge [sflag:s7], $0x10000  }
0xab: {  	s13 =	sadd.s32 $0x1, s13;
	s31 =	rddreg [dreg:$0x5]  }
0xac: {  	p0 =	sne.s32 s13, s31  }
.Ltmp2:
0xad: {  	_ = 	snop;
	(pc) =	sbr.rel @p0 .LBB2_1-.Ltmp2, $3  }
0xae: {  	_ =	sdelay $0x1  }
0xaf: {  	[sflag:s7] =	ssyncset.done $0x0  }
0xb0: {  	[sflag:s7] =	ssyncadd.s32 $0xFFFF0000  }
0xb1: {  	_ =	sfence.sel $0x180000  }
0xb2: {  	[bflag:$0x0] =	sbarrier.arrive $0xFFFF  }
0xb3: {  	_ =	strace $0x90000047  }
0xb4: {  	s0 =	stileid.u32;
	[bflag:$0x2] =	sbarrier.arrive $0xFFFF  }
0xb5: {  	p0 =	sne.s32 s0, $0x0;
	s0 =	rddreg [dreg:$0x2]  }
0xb6: {  	s0 =	sadd.s32 @!p0 $0x100000, s0  }
0xb7: {  	[sflag:s0] =	ssyncadd.tile.s32 @!p0 $0x1;
	_ =	shalt  }
.Lfunc_end2:
_tile_overlayer_lowered:
.L_overlay_start_2:
0xb8: {  	(tag) =	ssettag $0x2  }
0xb9: {  	s0 =	rddreg [dreg:$0x0];
	s2 =	stileid.u32  }
0xba: {  	s1 =	rddreg [dreg:$0x1];
	p0 =	sne.s32 s2, $0x0  }
0xbb: {  	s3 =	rddreg [dreg:$0x2];
	[bflag:$0x3] =	sbarrier.arrive $0xFFFF;
	s2 =	simm.s32 @!p0 $0x1C05  }
0xbc: {  	[timem:s3], [sflag:s2] =	dma.local @!p0 [hbm:s0], s1  }
0xbd: {  	s0 =	simm.s32 @!p0 $0x5  }
0xbe: {  	_ =	swait.ge @!p0 [sflag:s0], s1  }
0xbf: {  	s1 =	ssub.s32 @!p0 $0x0, s1;
	[sflag:s0] =	ssyncset.done @!p0 $0x0  }
0xc0: {  	[sflag:s0] =	ssyncadd.s32 @!p0 s1  }
0xc1: {  	[bflag:$0x3] =	sbarrier.arrive $0xFFFF  }
0xc2: {  	_ =	shalt  }

</sc_bundles>
